<compile_context>
chip_gen: v7x
topology: tpu7x:2x2x1
jax: 0.10.2.dev20260603
libtpu: 0.0.44.dev20260713+nightly
codegen_flags: <defaults>
</compile_context>

<pallas_src>
import functools

import jax
import jax.numpy as jnp
from jax import lax
from jax.experimental import pallas as pl
from jax.experimental.pallas import tpu as pltpu
from jax.experimental.pallas import tpu_sc as plsc

BATCH = 16384
DIM = 64
NC = 2
NS = 16
L = 16
NW = NC * NS
BPW = BATCH // NW
CH = 128
NCH = BPW // CH

_mesh = plsc.VectorSubcoreMesh(core_axis_name="c", subcore_axis_name="s")


@functools.partial(
    pl.kernel,
    mesh=_mesh,
    compiler_params=pltpu.CompilerParams(skip_device_barrier=True),
    out_type=jax.ShapeDtypeStruct((BATCH, DIM), jnp.float32),
    scratch_types=[
        pltpu.VMEM_SHARED((NW, 2, BPW), jnp.int32),
        pltpu.SMEM((BPW,), jnp.int32),
        pltpu.VMEM((BPW,), jnp.int32),
        pltpu.VMEM((CH, DIM), jnp.float32),
        pltpu.VMEM((CH, DIM), jnp.float32),
        pltpu.VMEM((BPW, 2 * DIM), jnp.float32),
        pltpu.SemaphoreType.DMA,
        pltpu.SemaphoreType.DMA,
        pltpu.SemaphoreType.DMA,
        pltpu.SemaphoreType.DMA,
        pltpu.SemaphoreType.DMA,
        pltpu.SemaphoreType.DMA,
        pltpu.SemaphoreType.DMA,
        pltpu.SemaphoreType.DMA,
        pltpu.SemaphoreType.DMA,
    ],
)
def _distmult_sc(e1_hbm, r_hbm, ent_hbm, rel_hbm, out_hbm,
                 idx_sh, e_idx, r_idx_v, e_rows0, e_rows1, r_rows,
                 se0, se1, se2, se3, se4, se5, se6, se7, sem_r):
    wid = lax.axis_index("s") * NC + lax.axis_index("c")
    base = wid * BPW
    pltpu.sync_copy(e1_hbm.at[pl.ds(base, BPW)], idx_sh.at[wid, 0])
    pltpu.sync_copy(idx_sh.at[wid, 0], e_idx)
    pltpu.sync_copy(r_hbm.at[pl.ds(base, BPW)], r_idx_v)
    cr = pltpu.async_copy(rel_hbm.at[r_idx_v], r_rows, sem_r)

    e_bufs = (e_rows0, e_rows1)
    e_sems = ((se0, se1, se2, se3), (se4, se5, se6, se7))
    NSEM = 4

    def fire(c, buf, sems):
        def body(i, _):
            for u in range(NSEM):
                k = i * NSEM + u
                idx = e_idx[c * CH + k]
                g = lax.shift_right_logical(idx, 4)
                s = lax.rem(idx, 16)
                pltpu.async_copy(ent_hbm.at[g, s], buf.at[k], sems[u])
            return ()
        lax.fori_loop(0, CH // NSEM, body, ())

    def drain_mult_store(c, buf, sems):
        for u in range(NSEM):
            pltpu.make_async_copy(ent_hbm.at[0, pl.ds(0, CH // NSEM)],
                                  buf.at[pl.ds(0, CH // NSEM)], sems[u]).wait()

        def body(i, _):
            for j in range(DIM // L):
                sl = pl.ds(j * L, L)
                buf[i, sl] = buf[i, sl] * r_rows[c * CH + i, sl]
            return ()
        lax.fori_loop(0, CH, body, ())
        pltpu.sync_copy(buf, out_hbm.at[pl.ds(base + c * CH, CH)])

    fire(0, e_bufs[0], e_sems[0])
    cr.wait()
    for c in range(NCH):
        if c + 1 < NCH:
            fire(c + 1, e_bufs[(c + 1) % 2], e_sems[(c + 1) % 2])
        drain_mult_store(c, e_bufs[c % 2], e_sems[c % 2])


def kernel(e1, r, entity_table, relation_table):
    rel128 = jnp.pad(relation_table, ((0, 0), (0, DIM)))
    ent3 = entity_table.reshape(entity_table.shape[0] // 16, 16, DIM)
    return _distmult_sc(e1.astype(jnp.int32), r.astype(jnp.int32),
                        ent3, rel128)

# --- scband reference (transcript-rebuilt; emitter-appended) ---
"""Pipeline reference for scband-dist-mult-18382460026885 (READ-ONLY COPY).

The authoritative reference and input builder live on the scoring server;
editing this copy changes nothing except your own understanding.
"""

import jax, jax.numpy as jnp
import numpy as np

BATCH = 16384
NUM_ENT = 1000000
NUM_REL = 1000
DIM = 64

def setup_inputs(seed: int = 0) -> dict:
    key = jax.random.key(seed)
    k1, k2, k3, k4 = jax.random.split(key, 4)
    e1 = jax.random.randint(k1, (BATCH,), 0, NUM_ENT, dtype=jnp.int64 if jax.config.jax_enable_x64 else jnp.int32)
    r = jax.random.randint(k2, (BATCH,), 0, NUM_REL, dtype=jnp.int64 if jax.config.jax_enable_x64 else jnp.int32)
    entity_table = jax.random.normal(k3, (NUM_ENT, DIM), dtype=jnp.float32)
    relation_table = jax.random.normal(k4, (NUM_REL, DIM), dtype=jnp.float32)
    return {"e1": e1, "r": r, "entity_table": entity_table, "relation_table": relation_table}

def reference(e1, r, entity_table, relation_table):
    # DistMult.forward: E1 = kg.get_entity_embeddings(e1); R = kg.get_relation_embeddings(r)
    E1 = jnp.take(entity_table, e1, axis=0)
    R = jnp.take(relation_table, r, axis=0)
    # forward_displacement: elementwise product approximates tail entity embedding
    E2_approx = E1 * R
    return E2_approx

if __name__ == "__main__":
    import jax
    _d = setup_inputs()
    print(jax.jit(kernel)(*tuple(_d.values())))

</pallas_src>

<mosaic_0001>
#map = affine_map<(d0, d1) -> (0)>
#map1 = affine_map<(d0, d1) -> (0, 0, 0)>
#map2 = affine_map<(d0, d1) -> (0, 0)>
module attributes {stable_mosaic.version = 14 : i64} {
  func.func @_distmult_sc(%arg0: i32, %arg1: i32, %arg2: memref<16384xi32, #tpu.memory_space<hbm>>, %arg3: memref<16384xi32, #tpu.memory_space<hbm>>, %arg4: memref<62500x16x64xf32, #tpu.memory_space<hbm>>, %arg5: memref<1000x128xf32, #tpu.memory_space<hbm>>, %arg6: memref<16384x64xf32, #tpu.memory_space<hbm>>, %arg7: memref<32x2x512xi32, #tpu.memory_space<vmem_shared>>, %arg8: memref<512xi32, #tpu.memory_space<smem>>, %arg9: memref<512xi32, #tpu.memory_space<vmem>>, %arg10: memref<128x64xf32, #tpu.memory_space<vmem>>, %arg11: memref<128x64xf32, #tpu.memory_space<vmem>>, %arg12: memref<512x128xf32, #tpu.memory_space<vmem>>, %arg13: memref<!tpu.dma_semaphore, #tpu.memory_space<semaphore_mem>>, %arg14: memref<!tpu.dma_semaphore, #tpu.memory_space<semaphore_mem>>, %arg15: memref<!tpu.dma_semaphore, #tpu.memory_space<semaphore_mem>>, %arg16: memref<!tpu.dma_semaphore, #tpu.memory_space<semaphore_mem>>, %arg17: memref<!tpu.dma_semaphore, #tpu.memory_space<semaphore_mem>>, %arg18: memref<!tpu.dma_semaphore, #tpu.memory_space<semaphore_mem>>, %arg19: memref<!tpu.dma_semaphore, #tpu.memory_space<semaphore_mem>>, %arg20: memref<!tpu.dma_semaphore, #tpu.memory_space<semaphore_mem>>, %arg21: memref<!tpu.dma_semaphore, #tpu.memory_space<semaphore_mem>>) attributes {dimension_semantics = [#tpu.dimension_semantics<core_parallel>, #tpu.dimension_semantics<subcore_parallel>], iteration_bounds = array<i64: 2, 16>, scalar_prefetch = 0 : i64, scratch_operands = 15 : i64, tpu.core_type = #tpu.core_type<sc_vector_subcore>, window_params = [{transform_indices = #map}, {transform_indices = #map}, {transform_indices = #map1}, {transform_indices = #map2}, {transform_indices = #map2}]} {
    %mul3A = arith.constant 2 : i32
    %mul3A_0 = arith.muli %arg1, %mul3A : i32
    %add3A = arith.addi %mul3A_0, %arg0 : i32
    %mul3A_1 = arith.constant 512 : i32
    %mul3A_2 = arith.muli %add3A, %mul3A_1 : i32
    %run_scoped3A = arith.constant 0 : i32
    "tpu.region"() ({
      %run_scoped3A_295 = tpu.sem_alloc : memref<!tpu.dma_semaphore, #tpu.memory_space<semaphore_mem>>
      %dma_start3A_296 = arith.constant 0 : i32
      %dma_start3A_297 = tpu.memref_slice %arg7[%add3A, %run_scoped3A, %dma_start3A_296] : memref<32x2x512xi32, #tpu.memory_space<vmem_shared>> -> memref<1x1x512xi32, #tpu.memory_space<vmem_shared>>
      %dma_start3A_298 = tpu.memref_squeeze %dma_start3A_297 : memref<1x1x512xi32, #tpu.memory_space<vmem_shared>> -> memref<512xi32, #tpu.memory_space<vmem_shared>>
      %dma_start3A_299 = tpu.memref_slice %arg2[%mul3A_2] : memref<16384xi32, #tpu.memory_space<hbm>> -> memref<512xi32, #tpu.memory_space<hbm>>
      tpu.enqueue_dma source(%dma_start3A_299 : memref<512xi32, #tpu.memory_space<hbm>>) target(%dma_start3A_298 : memref<512xi32, #tpu.memory_space<vmem_shared>>) target_semaphore(%run_scoped3A_295 : memref<!tpu.dma_semaphore, #tpu.memory_space<semaphore_mem>>)
      %dma_wait3A_300 = arith.constant 0 : i32
      %dma_wait3A_301 = tpu.memref_slice %arg7[%add3A, %run_scoped3A, %dma_wait3A_300] : memref<32x2x512xi32, #tpu.memory_space<vmem_shared>> -> memref<1x1x512xi32, #tpu.memory_space<vmem_shared>>
      %dma_wait3A_302 = tpu.memref_squeeze %dma_wait3A_301 : memref<1x1x512xi32, #tpu.memory_space<vmem_shared>> -> memref<512xi32, #tpu.memory_space<vmem_shared>>
      %dma_wait3A_303 = tpu.memref_slice %arg2[%mul3A_2] : memref<16384xi32, #tpu.memory_space<hbm>> -> memref<512xi32, #tpu.memory_space<hbm>>
      tpu.wait_dma2 semaphore(%run_scoped3A_295 : memref<!tpu.dma_semaphore, #tpu.memory_space<semaphore_mem>>) src(%dma_wait3A_303 : memref<512xi32, #tpu.memory_space<hbm>>) dst(%dma_wait3A_302 : memref<512xi32, #tpu.memory_space<vmem_shared>>)
      tpu.yield
    }) : () -> ()
    %run_scoped3A_3 = arith.constant 0 : i32
    "tpu.region"() ({
      %run_scoped3A_295 = tpu.sem_alloc : memref<!tpu.dma_semaphore, #tpu.memory_space<semaphore_mem>>
      %dma_start3A_296 = arith.constant 0 : i32
      %dma_start3A_297 = tpu.memref_slice %arg7[%add3A, %run_scoped3A_3, %dma_start3A_296] : memref<32x2x512xi32, #tpu.memory_space<vmem_shared>> -> memref<1x1x512xi32, #tpu.memory_space<vmem_shared>>
      %dma_start3A_298 = tpu.memref_squeeze %dma_start3A_297 : memref<1x1x512xi32, #tpu.memory_space<vmem_shared>> -> memref<512xi32, #tpu.memory_space<vmem_shared>>
      tpu.enqueue_dma source(%dma_start3A_298 : memref<512xi32, #tpu.memory_space<vmem_shared>>) target(%arg8 : memref<512xi32, #tpu.memory_space<smem>>) target_semaphore(%run_scoped3A_295 : memref<!tpu.dma_semaphore, #tpu.memory_space<semaphore_mem>>)
      %dma_wait3A_299 = arith.constant 0 : i32
      %dma_wait3A_300 = tpu.memref_slice %arg7[%add3A, %run_scoped3A_3, %dma_wait3A_299] : memref<32x2x512xi32, #tpu.memory_space<vmem_shared>> -> memref<1x1x512xi32, #tpu.memory_space<vmem_shared>>
      %dma_wait3A_301 = tpu.memref_squeeze %dma_wait3A_300 : memref<1x1x512xi32, #tpu.memory_space<vmem_shared>> -> memref<512xi32, #tpu.memory_space<vmem_shared>>
      tpu.wait_dma2 semaphore(%run_scoped3A_295 : memref<!tpu.dma_semaphore, #tpu.memory_space<semaphore_mem>>) src(%dma_wait3A_301 : memref<512xi32, #tpu.memory_space<vmem_shared>>) dst(%arg8 : memref<512xi32, #tpu.memory_space<smem>>)
      tpu.yield
    }) : () -> ()
    "tpu.region"() ({
      %run_scoped3A_295 = tpu.sem_alloc : memref<!tpu.dma_semaphore, #tpu.memory_space<semaphore_mem>>
      %dma_start3A_296 = tpu.memref_slice %arg3[%mul3A_2] : memref<16384xi32, #tpu.memory_space<hbm>> -> memref<512xi32, #tpu.memory_space<hbm>>
      %dma_start3A_297 = tpu.memref_slice %arg3[%mul3A_2] : memref<16384xi32, #tpu.memory_space<hbm>> -> memref<512xi32, #tpu.memory_space<hbm>>
      tpu.enqueue_dma source(%dma_start3A_297 : memref<512xi32, #tpu.memory_space<hbm>>) target(%arg9 : memref<512xi32, #tpu.memory_space<vmem>>) target_semaphore(%run_scoped3A_295 : memref<!tpu.dma_semaphore, #tpu.memory_space<semaphore_mem>>)
      %dma_wait3A_298 = tpu.memref_slice %arg3[%mul3A_2] : memref<16384xi32, #tpu.memory_space<hbm>> -> memref<512xi32, #tpu.memory_space<hbm>>
      %dma_wait3A_299 = tpu.memref_slice %arg3[%mul3A_2] : memref<16384xi32, #tpu.memory_space<hbm>> -> memref<512xi32, #tpu.memory_space<hbm>>
      tpu.wait_dma2 semaphore(%run_scoped3A_295 : memref<!tpu.dma_semaphore, #tpu.memory_space<semaphore_mem>>) src(%dma_wait3A_299 : memref<512xi32, #tpu.memory_space<hbm>>) dst(%arg9 : memref<512xi32, #tpu.memory_space<vmem>>)
      tpu.yield
    }) : () -> ()
    %dma_start3A = arith.constant 0 : i32
    %dma_start3A_4 = arith.constant 0 : i32
    %dma_start3A_5 = tpu.memref_slice %arg5[%dma_start3A, %dma_start3A_4] : memref<1000x128xf32, #tpu.memory_space<hbm>> -> memref<1000x128xf32, #tpu.memory_space<hbm>>
    tpu.enqueue_indirect_dma source(%dma_start3A_5 : memref<1000x128xf32, #tpu.memory_space<hbm>>) target(%arg12 : memref<512x128xf32, #tpu.memory_space<vmem>>) offsets(%arg9 : memref<512xi32, #tpu.memory_space<vmem>>) semaphore(%arg21 : memref<!tpu.dma_semaphore, #tpu.memory_space<semaphore_mem>>)
    %scan3A = arith.constant 0 : i32
    %scan3A_6 = arith.constant 32 : i32
    %scan3A_7 = arith.addi %scan3A, %scan3A_6 : i32
    %scan3A_8 = arith.constant 1 : i32
    scf.for %scan3A_295 = %scan3A to %scan3A_7 step %scan3A_8  : i32 {
      %mul3A_296 = arith.constant 4 : i32
      %mul3A_297 = arith.muli %scan3A_295, %mul3A_296 : i32
      %add3A_298 = arith.constant 0 : i32
      %add3A_299 = arith.addi %mul3A_297, %add3A_298 : i32
      %add3A_300 = arith.constant 0 : i32
      %add3A_301 = arith.addi %add3A_300, %add3A_299 : i32
      %get3A = arith.index_cast %add3A_301 : i32 to index
      %get3A_302 = memref.load %arg8[%get3A] : memref<512xi32, #tpu.memory_space<smem>>
      %shift_right_logical3A = arith.constant 4 : i32
      %shift_right_logical3A_303 = arith.shrui %get3A_302, %shift_right_logical3A : i32
      %rem3A = arith.constant 16 : i32
      %rem3A_304 = arith.remsi %get3A_302, %rem3A : i32
      %dma_start3A_305 = arith.constant 0 : i32
      %dma_start3A_306 = tpu.memref_slice %arg10[%add3A_299, %dma_start3A_305] : memref<128x64xf32, #tpu.memory_space<vmem>> -> memref<1x64xf32, #tpu.memory_space<vmem>>
      %dma_start3A_307 = tpu.memref_squeeze %dma_start3A_306 : memref<1x64xf32, #tpu.memory_space<vmem>> -> memref<64xf32, #tpu.memory_space<vmem>>
      %dma_start3A_308 = arith.constant 0 : i32
      %dma_start3A_309 = tpu.memref_slice %arg4[%shift_right_logical3A_303, %rem3A_304, %dma_start3A_308] : memref<62500x16x64xf32, #tpu.memory_space<hbm>> -> memref<1x1x64xf32, #tpu.memory_space<hbm>>
      %dma_start3A_310 = tpu.memref_squeeze %dma_start3A_309 : memref<1x1x64xf32, #tpu.memory_space<hbm>> -> memref<64xf32, #tpu.memory_space<hbm>>
      %dma_start3A_311 = arith.constant 0 : i32
      %dma_start3A_312 = tpu.memref_slice %arg10[%add3A_299, %dma_start3A_311] : memref<128x64xf32, #tpu.memory_space<vmem>> -> memref<1x64xf32, #tpu.memory_space<vmem>>
      %dma_start3A_313 = tpu.memref_squeeze %dma_start3A_312 : memref<1x64xf32, #tpu.memory_space<vmem>> -> memref<64xf32, #tpu.memory_space<vmem>>
      %dma_start3A_314 = arith.constant 0 : i32
      %dma_start3A_315 = tpu.memref_slice %arg4[%shift_right_logical3A_303, %rem3A_304, %dma_start3A_314] : memref<62500x16x64xf32, #tpu.memory_space<hbm>> -> memref<1x1x64xf32, #tpu.memory_space<hbm>>
      %dma_start3A_316 = tpu.memref_squeeze %dma_start3A_315 : memref<1x1x64xf32, #tpu.memory_space<hbm>> -> memref<64xf32, #tpu.memory_space<hbm>>
      tpu.enqueue_dma source(%dma_start3A_316 : memref<64xf32, #tpu.memory_space<hbm>>) target(%dma_start3A_313 : memref<64xf32, #tpu.memory_space<vmem>>) target_semaphore(%arg13 : memref<!tpu.dma_semaphore, #tpu.memory_space<semaphore_mem>>)
      %mul3A_317 = arith.constant 4 : i32
      %mul3A_318 = arith.muli %scan3A_295, %mul3A_317 : i32
      %add3A_319 = arith.constant 1 : i32
      %add3A_320 = arith.addi %mul3A_318, %add3A_319 : i32
      %add3A_321 = arith.constant 0 : i32
      %add3A_322 = arith.addi %add3A_321, %add3A_320 : i32
      %get3A_323 = arith.index_cast %add3A_322 : i32 to index
      %get3A_324 = memref.load %arg8[%get3A_323] : memref<512xi32, #tpu.memory_space<smem>>
      %shift_right_logical3A_325 = arith.constant 4 : i32
      %shift_right_logical3A_326 = arith.shrui %get3A_324, %shift_right_logical3A_325 : i32
      %rem3A_327 = arith.constant 16 : i32
      %rem3A_328 = arith.remsi %get3A_324, %rem3A_327 : i32
      %dma_start3A_329 = arith.constant 0 : i32
      %dma_start3A_330 = tpu.memref_slice %arg10[%add3A_320, %dma_start3A_329] : memref<128x64xf32, #tpu.memory_space<vmem>> -> memref<1x64xf32, #tpu.memory_space<vmem>>
      %dma_start3A_331 = tpu.memref_squeeze %dma_start3A_330 : memref<1x64xf32, #tpu.memory_space<vmem>> -> memref<64xf32, #tpu.memory_space<vmem>>
      %dma_start3A_332 = arith.constant 0 : i32
      %dma_start3A_333 = tpu.memref_slice %arg4[%shift_right_logical3A_326, %rem3A_328, %dma_start3A_332] : memref<62500x16x64xf32, #tpu.memory_space<hbm>> -> memref<1x1x64xf32, #tpu.memory_space<hbm>>
      %dma_start3A_334 = tpu.memref_squeeze %dma_start3A_333 : memref<1x1x64xf32, #tpu.memory_space<hbm>> -> memref<64xf32, #tpu.memory_space<hbm>>
      %dma_start3A_335 = arith.constant 0 : i32
      %dma_start3A_336 = tpu.memref_slice %arg10[%add3A_320, %dma_start3A_335] : memref<128x64xf32, #tpu.memory_space<vmem>> -> memref<1x64xf32, #tpu.memory_space<vmem>>
      %dma_start3A_337 = tpu.memref_squeeze %dma_start3A_336 : memref<1x64xf32, #tpu.memory_space<vmem>> -> memref<64xf32, #tpu.memory_space<vmem>>
      %dma_start3A_338 = arith.constant 0 : i32
      %dma_start3A_339 = tpu.memref_slice %arg4[%shift_right_logical3A_326, %rem3A_328, %dma_start3A_338] : memref<62500x16x64xf32, #tpu.memory_space<hbm>> -> memref<1x1x64xf32, #tpu.memory_space<hbm>>
      %dma_start3A_340 = tpu.memref_squeeze %dma_start3A_339 : memref<1x1x64xf32, #tpu.memory_space<hbm>> -> memref<64xf32, #tpu.memory_space<hbm>>
      tpu.enqueue_dma source(%dma_start3A_340 : memref<64xf32, #tpu.memory_space<hbm>>) target(%dma_start3A_337 : memref<64xf32, #tpu.memory_space<vmem>>) target_semaphore(%arg14 : memref<!tpu.dma_semaphore, #tpu.memory_space<semaphore_mem>>)
      %mul3A_341 = arith.constant 4 : i32
      %mul3A_342 = arith.muli %scan3A_295, %mul3A_341 : i32
      %add3A_343 = arith.constant 2 : i32
      %add3A_344 = arith.addi %mul3A_342, %add3A_343 : i32
      %add3A_345 = arith.constant 0 : i32
      %add3A_346 = arith.addi %add3A_345, %add3A_344 : i32
      %get3A_347 = arith.index_cast %add3A_346 : i32 to index
      %get3A_348 = memref.load %arg8[%get3A_347] : memref<512xi32, #tpu.memory_space<smem>>
      %shift_right_logical3A_349 = arith.constant 4 : i32
      %shift_right_logical3A_350 = arith.shrui %get3A_348, %shift_right_logical3A_349 : i32
      %rem3A_351 = arith.constant 16 : i32
      %rem3A_352 = arith.remsi %get3A_348, %rem3A_351 : i32
      %dma_start3A_353 = arith.constant 0 : i32
      %dma_start3A_354 = tpu.memref_slice %arg10[%add3A_344, %dma_start3A_353] : memref<128x64xf32, #tpu.memory_space<vmem>> -> memref<1x64xf32, #tpu.memory_space<vmem>>
      %dma_start3A_355 = tpu.memref_squeeze %dma_start3A_354 : memref<1x64xf32, #tpu.memory_space<vmem>> -> memref<64xf32, #tpu.memory_space<vmem>>
      %dma_start3A_356 = arith.constant 0 : i32
      %dma_start3A_357 = tpu.memref_slice %arg4[%shift_right_logical3A_350, %rem3A_352, %dma_start3A_356] : memref<62500x16x64xf32, #tpu.memory_space<hbm>> -> memref<1x1x64xf32, #tpu.memory_space<hbm>>
      %dma_start3A_358 = tpu.memref_squeeze %dma_start3A_357 : memref<1x1x64xf32, #tpu.memory_space<hbm>> -> memref<64xf32, #tpu.memory_space<hbm>>
      %dma_start3A_359 = arith.constant 0 : i32
      %dma_start3A_360 = tpu.memref_slice %arg10[%add3A_344, %dma_start3A_359] : memref<128x64xf32, #tpu.memory_space<vmem>> -> memref<1x64xf32, #tpu.memory_space<vmem>>
      %dma_start3A_361 = tpu.memref_squeeze %dma_start3A_360 : memref<1x64xf32, #tpu.memory_space<vmem>> -> memref<64xf32, #tpu.memory_space<vmem>>
      %dma_start3A_362 = arith.constant 0 : i32
      %dma_start3A_363 = tpu.memref_slice %arg4[%shift_right_logical3A_350, %rem3A_352, %dma_start3A_362] : memref<62500x16x64xf32, #tpu.memory_space<hbm>> -> memref<1x1x64xf32, #tpu.memory_space<hbm>>
      %dma_start3A_364 = tpu.memref_squeeze %dma_start3A_363 : memref<1x1x64xf32, #tpu.memory_space<hbm>> -> memref<64xf32, #tpu.memory_space<hbm>>
      tpu.enqueue_dma source(%dma_start3A_364 : memref<64xf32, #tpu.memory_space<hbm>>) target(%dma_start3A_361 : memref<64xf32, #tpu.memory_space<vmem>>) target_semaphore(%arg15 : memref<!tpu.dma_semaphore, #tpu.memory_space<semaphore_mem>>)
      %mul3A_365 = arith.constant 4 : i32
      %mul3A_366 = arith.muli %scan3A_295, %mul3A_365 : i32
      %add3A_367 = arith.constant 3 : i32
      %add3A_368 = arith.addi %mul3A_366, %add3A_367 : i32
      %add3A_369 = arith.constant 0 : i32
      %add3A_370 = arith.addi %add3A_369, %add3A_368 : i32
      %get3A_371 = arith.index_cast %add3A_370 : i32 to index
      %get3A_372 = memref.load %arg8[%get3A_371] : memref<512xi32, #tpu.memory_space<smem>>
      %shift_right_logical3A_373 = arith.constant 4 : i32
      %shift_right_logical3A_374 = arith.shrui %get3A_372, %shift_right_logical3A_373 : i32
      %rem3A_375 = arith.constant 16 : i32
      %rem3A_376 = arith.remsi %get3A_372, %rem3A_375 : i32
      %dma_start3A_377 = arith.constant 0 : i32
      %dma_start3A_378 = tpu.memref_slice %arg10[%add3A_368, %dma_start3A_377] : memref<128x64xf32, #tpu.memory_space<vmem>> -> memref<1x64xf32, #tpu.memory_space<vmem>>
      %dma_start3A_379 = tpu.memref_squeeze %dma_start3A_378 : memref<1x64xf32, #tpu.memory_space<vmem>> -> memref<64xf32, #tpu.memory_space<vmem>>
      %dma_start3A_380 = arith.constant 0 : i32
      %dma_start3A_381 = tpu.memref_slice %arg4[%shift_right_logical3A_374, %rem3A_376, %dma_start3A_380] : memref<62500x16x64xf32, #tpu.memory_space<hbm>> -> memref<1x1x64xf32, #tpu.memory_space<hbm>>
      %dma_start3A_382 = tpu.memref_squeeze %dma_start3A_381 : memref<1x1x64xf32, #tpu.memory_space<hbm>> -> memref<64xf32, #tpu.memory_space<hbm>>
      %dma_start3A_383 = arith.constant 0 : i32
      %dma_start3A_384 = tpu.memref_slice %arg10[%add3A_368, %dma_start3A_383] : memref<128x64xf32, #tpu.memory_space<vmem>> -> memref<1x64xf32, #tpu.memory_space<vmem>>
      %dma_start3A_385 = tpu.memref_squeeze %dma_start3A_384 : memref<1x64xf32, #tpu.memory_space<vmem>> -> memref<64xf32, #tpu.memory_space<vmem>>
      %dma_start3A_386 = arith.constant 0 : i32
      %dma_start3A_387 = tpu.memref_slice %arg4[%shift_right_logical3A_374, %rem3A_376, %dma_start3A_386] : memref<62500x16x64xf32, #tpu.memory_space<hbm>> -> memref<1x1x64xf32, #tpu.memory_space<hbm>>
      %dma_start3A_388 = tpu.memref_squeeze %dma_start3A_387 : memref<1x1x64xf32, #tpu.memory_space<hbm>> -> memref<64xf32, #tpu.memory_space<hbm>>
      tpu.enqueue_dma source(%dma_start3A_388 : memref<64xf32, #tpu.memory_space<hbm>>) target(%dma_start3A_385 : memref<64xf32, #tpu.memory_space<vmem>>) target_semaphore(%arg16 : memref<!tpu.dma_semaphore, #tpu.memory_space<semaphore_mem>>)
    }
    %scan3A_9 = arith.constant 32 : i32
    %dma_wait3A = arith.constant 0 : i32
    %dma_wait3A_10 = arith.constant 0 : i32
    %dma_wait3A_11 = tpu.memref_slice %arg5[%dma_wait3A, %dma_wait3A_10] : memref<1000x128xf32, #tpu.memory_space<hbm>> -> memref<1000x128xf32, #tpu.memory_space<hbm>>
    tpu.wait_indirect_dma semaphore(%arg21 : memref<!tpu.dma_semaphore, #tpu.memory_space<semaphore_mem>>) src(%dma_wait3A_11 : memref<1000x128xf32, #tpu.memory_space<hbm>>) dst(%arg12 : memref<512x128xf32, #tpu.memory_space<vmem>>)
    %scan3A_12 = arith.constant 0 : i32
    %scan3A_13 = arith.constant 32 : i32
    %scan3A_14 = arith.addi %scan3A_12, %scan3A_13 : i32
    %scan3A_15 = arith.constant 1 : i32
    scf.for %scan3A_295 = %scan3A_12 to %scan3A_14 step %scan3A_15  : i32 {
      %mul3A_296 = arith.constant 4 : i32
      %mul3A_297 = arith.muli %scan3A_295, %mul3A_296 : i32
      %add3A_298 = arith.constant 0 : i32
      %add3A_299 = arith.addi %mul3A_297, %add3A_298 : i32
      %add3A_300 = arith.constant 128 : i32
      %add3A_301 = arith.addi %add3A_300, %add3A_299 : i32
      %get3A = arith.index_cast %add3A_301 : i32 to index
      %get3A_302 = memref.load %arg8[%get3A] : memref<512xi32, #tpu.memory_space<smem>>
      %shift_right_logical3A = arith.constant 4 : i32
      %shift_right_logical3A_303 = arith.shrui %get3A_302, %shift_right_logical3A : i32
      %rem3A = arith.constant 16 : i32
      %rem3A_304 = arith.remsi %get3A_302, %rem3A : i32
      %dma_start3A_305 = arith.constant 0 : i32
      %dma_start3A_306 = tpu.memref_slice %arg11[%add3A_299, %dma_start3A_305] : memref<128x64xf32, #tpu.memory_space<vmem>> -> memref<1x64xf32, #tpu.memory_space<vmem>>
      %dma_start3A_307 = tpu.memref_squeeze %dma_start3A_306 : memref<1x64xf32, #tpu.memory_space<vmem>> -> memref<64xf32, #tpu.memory_space<vmem>>
      %dma_start3A_308 = arith.constant 0 : i32
      %dma_start3A_309 = tpu.memref_slice %arg4[%shift_right_logical3A_303, %rem3A_304, %dma_start3A_308] : memref<62500x16x64xf32, #tpu.memory_space<hbm>> -> memref<1x1x64xf32, #tpu.memory_space<hbm>>
      %dma_start3A_310 = tpu.memref_squeeze %dma_start3A_309 : memref<1x1x64xf32, #tpu.memory_space<hbm>> -> memref<64xf32, #tpu.memory_space<hbm>>
      %dma_start3A_311 = arith.constant 0 : i32
      %dma_start3A_312 = tpu.memref_slice %arg11[%add3A_299, %dma_start3A_311] : memref<128x64xf32, #tpu.memory_space<vmem>> -> memref<1x64xf32, #tpu.memory_space<vmem>>
      %dma_start3A_313 = tpu.memref_squeeze %dma_start3A_312 : memref<1x64xf32, #tpu.memory_space<vmem>> -> memref<64xf32, #tpu.memory_space<vmem>>
      %dma_start3A_314 = arith.constant 0 : i32
      %dma_start3A_315 = tpu.memref_slice %arg4[%shift_right_logical3A_303, %rem3A_304, %dma_start3A_314] : memref<62500x16x64xf32, #tpu.memory_space<hbm>> -> memref<1x1x64xf32, #tpu.memory_space<hbm>>
      %dma_start3A_316 = tpu.memref_squeeze %dma_start3A_315 : memref<1x1x64xf32, #tpu.memory_space<hbm>> -> memref<64xf32, #tpu.memory_space<hbm>>
      tpu.enqueue_dma source(%dma_start3A_316 : memref<64xf32, #tpu.memory_space<hbm>>) target(%dma_start3A_313 : memref<64xf32, #tpu.memory_space<vmem>>) target_semaphore(%arg17 : memref<!tpu.dma_semaphore, #tpu.memory_space<semaphore_mem>>)
      %mul3A_317 = arith.constant 4 : i32
      %mul3A_318 = arith.muli %scan3A_295, %mul3A_317 : i32
      %add3A_319 = arith.constant 1 : i32
      %add3A_320 = arith.addi %mul3A_318, %add3A_319 : i32
      %add3A_321 = arith.constant 128 : i32
      %add3A_322 = arith.addi %add3A_321, %add3A_320 : i32
      %get3A_323 = arith.index_cast %add3A_322 : i32 to index
      %get3A_324 = memref.load %arg8[%get3A_323] : memref<512xi32, #tpu.memory_space<smem>>
      %shift_right_logical3A_325 = arith.constant 4 : i32
      %shift_right_logical3A_326 = arith.shrui %get3A_324, %shift_right_logical3A_325 : i32
      %rem3A_327 = arith.constant 16 : i32
      %rem3A_328 = arith.remsi %get3A_324, %rem3A_327 : i32
      %dma_start3A_329 = arith.constant 0 : i32
      %dma_start3A_330 = tpu.memref_slice %arg11[%add3A_320, %dma_start3A_329] : memref<128x64xf32, #tpu.memory_space<vmem>> -> memref<1x64xf32, #tpu.memory_space<vmem>>
      %dma_start3A_331 = tpu.memref_squeeze %dma_start3A_330 : memref<1x64xf32, #tpu.memory_space<vmem>> -> memref<64xf32, #tpu.memory_space<vmem>>
      %dma_start3A_332 = arith.constant 0 : i32
      %dma_start3A_333 = tpu.memref_slice %arg4[%shift_right_logical3A_326, %rem3A_328, %dma_start3A_332] : memref<62500x16x64xf32, #tpu.memory_space<hbm>> -> memref<1x1x64xf32, #tpu.memory_space<hbm>>
      %dma_start3A_334 = tpu.memref_squeeze %dma_start3A_333 : memref<1x1x64xf32, #tpu.memory_space<hbm>> -> memref<64xf32, #tpu.memory_space<hbm>>
      %dma_start3A_335 = arith.constant 0 : i32
      %dma_start3A_336 = tpu.memref_slice %arg11[%add3A_320, %dma_start3A_335] : memref<128x64xf32, #tpu.memory_space<vmem>> -> memref<1x64xf32, #tpu.memory_space<vmem>>
      %dma_start3A_337 = tpu.memref_squeeze %dma_start3A_336 : memref<1x64xf32, #tpu.memory_space<vmem>> -> memref<64xf32, #tpu.memory_space<vmem>>
      %dma_start3A_338 = arith.constant 0 : i32
      %dma_start3A_339 = tpu.memref_slice %arg4[%shift_right_logical3A_326, %rem3A_328, %dma_start3A_338] : memref<62500x16x64xf32, #tpu.memory_space<hbm>> -> memref<1x1x64xf32, #tpu.memory_space<hbm>>
      %dma_start3A_340 = tpu.memref_squeeze %dma_start3A_339 : memref<1x1x64xf32, #tpu.memory_space<hbm>> -> memref<64xf32, #tpu.memory_space<hbm>>
      tpu.enqueue_dma source(%dma_start3A_340 : memref<64xf32, #tpu.memory_space<hbm>>) target(%dma_start3A_337 : memref<64xf32, #tpu.memory_space<vmem>>) target_semaphore(%arg18 : memref<!tpu.dma_semaphore, #tpu.memory_space<semaphore_mem>>)
      %mul3A_341 = arith.constant 4 : i32
      %mul3A_342 = arith.muli %scan3A_295, %mul3A_341 : i32
      %add3A_343 = arith.constant 2 : i32
      %add3A_344 = arith.addi %mul3A_342, %add3A_343 : i32
      %add3A_345 = arith.constant 128 : i32
      %add3A_346 = arith.addi %add3A_345, %add3A_344 : i32
      %get3A_347 = arith.index_cast %add3A_346 : i32 to index
      %get3A_348 = memref.load %arg8[%get3A_347] : memref<512xi32, #tpu.memory_space<smem>>
      %shift_right_logical3A_349 = arith.constant 4 : i32
      %shift_right_logical3A_350 = arith.shrui %get3A_348, %shift_right_logical3A_349 : i32
      %rem3A_351 = arith.constant 16 : i32
      %rem3A_352 = arith.remsi %get3A_348, %rem3A_351 : i32
      %dma_start3A_353 = arith.constant 0 : i32
      %dma_start3A_354 = tpu.memref_slice %arg11[%add3A_344, %dma_start3A_353] : memref<128x64xf32, #tpu.memory_space<vmem>> -> memref<1x64xf32, #tpu.memory_space<vmem>>
      %dma_start3A_355 = tpu.memref_squeeze %dma_start3A_354 : memref<1x64xf32, #tpu.memory_space<vmem>> -> memref<64xf32, #tpu.memory_space<vmem>>
      %dma_start3A_356 = arith.constant 0 : i32
      %dma_start3A_357 = tpu.memref_slice %arg4[%shift_right_logical3A_350, %rem3A_352, %dma_start3A_356] : memref<62500x16x64xf32, #tpu.memory_space<hbm>> -> memref<1x1x64xf32, #tpu.memory_space<hbm>>
      %dma_start3A_358 = tpu.memref_squeeze %dma_start3A_357 : memref<1x1x64xf32, #tpu.memory_space<hbm>> -> memref<64xf32, #tpu.memory_space<hbm>>
      %dma_start3A_359 = arith.constant 0 : i32
      %dma_start3A_360 = tpu.memref_slice %arg11[%add3A_344, %dma_start3A_359] : memref<128x64xf32, #tpu.memory_space<vmem>> -> memref<1x64xf32, #tpu.memory_space<vmem>>
      %dma_start3A_361 = tpu.memref_squeeze %dma_start3A_360 : memref<1x64xf32, #tpu.memory_space<vmem>> -> memref<64xf32, #tpu.memory_space<vmem>>
      %dma_start3A_362 = arith.constant 0 : i32
      %dma_start3A_363 = tpu.memref_slice %arg4[%shift_right_logical3A_350, %rem3A_352, %dma_start3A_362] : memref<62500x16x64xf32, #tpu.memory_space<hbm>> -> memref<1x1x64xf32, #tpu.memory_space<hbm>>
      %dma_start3A_364 = tpu.memref_squeeze %dma_start3A_363 : memref<1x1x64xf32, #tpu.memory_space<hbm>> -> memref<64xf32, #tpu.memory_space<hbm>>
      tpu.enqueue_dma source(%dma_start3A_364 : memref<64xf32, #tpu.memory_space<hbm>>) target(%dma_start3A_361 : memref<64xf32, #tpu.memory_space<vmem>>) target_semaphore(%arg19 : memref<!tpu.dma_semaphore, #tpu.memory_space<semaphore_mem>>)
      %mul3A_365 = arith.constant 4 : i32
      %mul3A_366 = arith.muli %scan3A_295, %mul3A_365 : i32
      %add3A_367 = arith.constant 3 : i32
      %add3A_368 = arith.addi %mul3A_366, %add3A_367 : i32
      %add3A_369 = arith.constant 128 : i32
      %add3A_370 = arith.addi %add3A_369, %add3A_368 : i32
      %get3A_371 = arith.index_cast %add3A_370 : i32 to index
      %get3A_372 = memref.load %arg8[%get3A_371] : memref<512xi32, #tpu.memory_space<smem>>
      %shift_right_logical3A_373 = arith.constant 4 : i32
      %shift_right_logical3A_374 = arith.shrui %get3A_372, %shift_right_logical3A_373 : i32
      %rem3A_375 = arith.constant 16 : i32
      %rem3A_376 = arith.remsi %get3A_372, %rem3A_375 : i32
      %dma_start3A_377 = arith.constant 0 : i32
      %dma_start3A_378 = tpu.memref_slice %arg11[%add3A_368, %dma_start3A_377] : memref<128x64xf32, #tpu.memory_space<vmem>> -> memref<1x64xf32, #tpu.memory_space<vmem>>
      %dma_start3A_379 = tpu.memref_squeeze %dma_start3A_378 : memref<1x64xf32, #tpu.memory_space<vmem>> -> memref<64xf32, #tpu.memory_space<vmem>>
      %dma_start3A_380 = arith.constant 0 : i32
      %dma_start3A_381 = tpu.memref_slice %arg4[%shift_right_logical3A_374, %rem3A_376, %dma_start3A_380] : memref<62500x16x64xf32, #tpu.memory_space<hbm>> -> memref<1x1x64xf32, #tpu.memory_space<hbm>>
      %dma_start3A_382 = tpu.memref_squeeze %dma_start3A_381 : memref<1x1x64xf32, #tpu.memory_space<hbm>> -> memref<64xf32, #tpu.memory_space<hbm>>
      %dma_start3A_383 = arith.constant 0 : i32
      %dma_start3A_384 = tpu.memref_slice %arg11[%add3A_368, %dma_start3A_383] : memref<128x64xf32, #tpu.memory_space<vmem>> -> memref<1x64xf32, #tpu.memory_space<vmem>>
      %dma_start3A_385 = tpu.memref_squeeze %dma_start3A_384 : memref<1x64xf32, #tpu.memory_space<vmem>> -> memref<64xf32, #tpu.memory_space<vmem>>
      %dma_start3A_386 = arith.constant 0 : i32
      %dma_start3A_387 = tpu.memref_slice %arg4[%shift_right_logical3A_374, %rem3A_376, %dma_start3A_386] : memref<62500x16x64xf32, #tpu.memory_space<hbm>> -> memref<1x1x64xf32, #tpu.memory_space<hbm>>
      %dma_start3A_388 = tpu.memref_squeeze %dma_start3A_387 : memref<1x1x64xf32, #tpu.memory_space<hbm>> -> memref<64xf32, #tpu.memory_space<hbm>>
      tpu.enqueue_dma source(%dma_start3A_388 : memref<64xf32, #tpu.memory_space<hbm>>) target(%dma_start3A_385 : memref<64xf32, #tpu.memory_space<vmem>>) target_semaphore(%arg20 : memref<!tpu.dma_semaphore, #tpu.memory_space<semaphore_mem>>)
    }
    %scan3A_16 = arith.constant 32 : i32
    %dma_wait3A_17 = arith.constant 0 : i32
    %dma_wait3A_18 = arith.constant 0 : i32
    %dma_wait3A_19 = arith.constant 0 : i32
    %dma_wait3A_20 = tpu.memref_slice %arg10[%dma_wait3A_18, %dma_wait3A_19] : memref<128x64xf32, #tpu.memory_space<vmem>> -> memref<32x64xf32, #tpu.memory_space<vmem>>
    %dma_wait3A_21 = arith.constant 0 : i32
    %dma_wait3A_22 = arith.constant 0 : i32
    %dma_wait3A_23 = tpu.memref_slice %arg4[%dma_wait3A_17, %dma_wait3A_21, %dma_wait3A_22] : memref<62500x16x64xf32, #tpu.memory_space<hbm>> -> memref<1x32x64xf32, #tpu.memory_space<hbm>>
    %dma_wait3A_24 = tpu.memref_squeeze %dma_wait3A_23 : memref<1x32x64xf32, #tpu.memory_space<hbm>> -> memref<32x64xf32, #tpu.memory_space<hbm>>
    %dma_wait3A_25 = arith.constant 0 : i32
    %dma_wait3A_26 = arith.constant 0 : i32
    %dma_wait3A_27 = tpu.memref_slice %arg10[%dma_wait3A_25, %dma_wait3A_26] : memref<128x64xf32, #tpu.memory_space<vmem>> -> memref<32x64xf32, #tpu.memory_space<vmem>>
    %dma_wait3A_28 = arith.constant 0 : i32
    %dma_wait3A_29 = arith.constant 0 : i32
    %dma_wait3A_30 = tpu.memref_slice %arg4[%dma_wait3A_17, %dma_wait3A_28, %dma_wait3A_29] : memref<62500x16x64xf32, #tpu.memory_space<hbm>> -> memref<1x32x64xf32, #tpu.memory_space<hbm>>
    %dma_wait3A_31 = tpu.memref_squeeze %dma_wait3A_30 : memref<1x32x64xf32, #tpu.memory_space<hbm>> -> memref<32x64xf32, #tpu.memory_space<hbm>>
    tpu.wait_dma2 semaphore(%arg13 : memref<!tpu.dma_semaphore, #tpu.memory_space<semaphore_mem>>) src(%dma_wait3A_31 : memref<32x64xf32, #tpu.memory_space<hbm>>) dst(%dma_wait3A_27 : memref<32x64xf32, #tpu.memory_space<vmem>>)
    %dma_wait3A_32 = arith.constant 0 : i32
    %dma_wait3A_33 = arith.constant 0 : i32
    %dma_wait3A_34 = arith.constant 0 : i32
    %dma_wait3A_35 = tpu.memref_slice %arg10[%dma_wait3A_33, %dma_wait3A_34] : memref<128x64xf32, #tpu.memory_space<vmem>> -> memref<32x64xf32, #tpu.memory_space<vmem>>
    %dma_wait3A_36 = arith.constant 0 : i32
    %dma_wait3A_37 = arith.constant 0 : i32
    %dma_wait3A_38 = tpu.memref_slice %arg4[%dma_wait3A_32, %dma_wait3A_36, %dma_wait3A_37] : memref<62500x16x64xf32, #tpu.memory_space<hbm>> -> memref<1x32x64xf32, #tpu.memory_space<hbm>>
    %dma_wait3A_39 = tpu.memref_squeeze %dma_wait3A_38 : memref<1x32x64xf32, #tpu.memory_space<hbm>> -> memref<32x64xf32, #tpu.memory_space<hbm>>
    %dma_wait3A_40 = arith.constant 0 : i32
    %dma_wait3A_41 = arith.constant 0 : i32
    %dma_wait3A_42 = tpu.memref_slice %arg10[%dma_wait3A_40, %dma_wait3A_41] : memref<128x64xf32, #tpu.memory_space<vmem>> -> memref<32x64xf32, #tpu.memory_space<vmem>>
    %dma_wait3A_43 = arith.constant 0 : i32
    %dma_wait3A_44 = arith.constant 0 : i32
    %dma_wait3A_45 = tpu.memref_slice %arg4[%dma_wait3A_32, %dma_wait3A_43, %dma_wait3A_44] : memref<62500x16x64xf32, #tpu.memory_space<hbm>> -> memref<1x32x64xf32, #tpu.memory_space<hbm>>
    %dma_wait3A_46 = tpu.memref_squeeze %dma_wait3A_45 : memref<1x32x64xf32, #tpu.memory_space<hbm>> -> memref<32x64xf32, #tpu.memory_space<hbm>>
    tpu.wait_dma2 semaphore(%arg14 : memref<!tpu.dma_semaphore, #tpu.memory_space<semaphore_mem>>) src(%dma_wait3A_46 : memref<32x64xf32, #tpu.memory_space<hbm>>) dst(%dma_wait3A_42 : memref<32x64xf32, #tpu.memory_space<vmem>>)
    %dma_wait3A_47 = arith.constant 0 : i32
    %dma_wait3A_48 = arith.constant 0 : i32
    %dma_wait3A_49 = arith.constant 0 : i32
    %dma_wait3A_50 = tpu.memref_slice %arg10[%dma_wait3A_48, %dma_wait3A_49] : memref<128x64xf32, #tpu.memory_space<vmem>> -> memref<32x64xf32, #tpu.memory_space<vmem>>
    %dma_wait3A_51 = arith.constant 0 : i32
    %dma_wait3A_52 = arith.constant 0 : i32
    %dma_wait3A_53 = tpu.memref_slice %arg4[%dma_wait3A_47, %dma_wait3A_51, %dma_wait3A_52] : memref<62500x16x64xf32, #tpu.memory_space<hbm>> -> memref<1x32x64xf32, #tpu.memory_space<hbm>>
    %dma_wait3A_54 = tpu.memref_squeeze %dma_wait3A_53 : memref<1x32x64xf32, #tpu.memory_space<hbm>> -> memref<32x64xf32, #tpu.memory_space<hbm>>
    %dma_wait3A_55 = arith.constant 0 : i32
    %dma_wait3A_56 = arith.constant 0 : i32
    %dma_wait3A_57 = tpu.memref_slice %arg10[%dma_wait3A_55, %dma_wait3A_56] : memref<128x64xf32, #tpu.memory_space<vmem>> -> memref<32x64xf32, #tpu.memory_space<vmem>>
    %dma_wait3A_58 = arith.constant 0 : i32
    %dma_wait3A_59 = arith.constant 0 : i32
    %dma_wait3A_60 = tpu.memref_slice %arg4[%dma_wait3A_47, %dma_wait3A_58, %dma_wait3A_59] : memref<62500x16x64xf32, #tpu.memory_space<hbm>> -> memref<1x32x64xf32, #tpu.memory_space<hbm>>
    %dma_wait3A_61 = tpu.memref_squeeze %dma_wait3A_60 : memref<1x32x64xf32, #tpu.memory_space<hbm>> -> memref<32x64xf32, #tpu.memory_space<hbm>>
    tpu.wait_dma2 semaphore(%arg15 : memref<!tpu.dma_semaphore, #tpu.memory_space<semaphore_mem>>) src(%dma_wait3A_61 : memref<32x64xf32, #tpu.memory_space<hbm>>) dst(%dma_wait3A_57 : memref<32x64xf32, #tpu.memory_space<vmem>>)
    %dma_wait3A_62 = arith.constant 0 : i32
    %dma_wait3A_63 = arith.constant 0 : i32
    %dma_wait3A_64 = arith.constant 0 : i32
    %dma_wait3A_65 = tpu.memref_slice %arg10[%dma_wait3A_63, %dma_wait3A_64] : memref<128x64xf32, #tpu.memory_space<vmem>> -> memref<32x64xf32, #tpu.memory_space<vmem>>
    %dma_wait3A_66 = arith.constant 0 : i32
    %dma_wait3A_67 = arith.constant 0 : i32
    %dma_wait3A_68 = tpu.memref_slice %arg4[%dma_wait3A_62, %dma_wait3A_66, %dma_wait3A_67] : memref<62500x16x64xf32, #tpu.memory_space<hbm>> -> memref<1x32x64xf32, #tpu.memory_space<hbm>>
    %dma_wait3A_69 = tpu.memref_squeeze %dma_wait3A_68 : memref<1x32x64xf32, #tpu.memory_space<hbm>> -> memref<32x64xf32, #tpu.memory_space<hbm>>
    %dma_wait3A_70 = arith.constant 0 : i32
    %dma_wait3A_71 = arith.constant 0 : i32
    %dma_wait3A_72 = tpu.memref_slice %arg10[%dma_wait3A_70, %dma_wait3A_71] : memref<128x64xf32, #tpu.memory_space<vmem>> -> memref<32x64xf32, #tpu.memory_space<vmem>>
    %dma_wait3A_73 = arith.constant 0 : i32
    %dma_wait3A_74 = arith.constant 0 : i32
    %dma_wait3A_75 = tpu.memref_slice %arg4[%dma_wait3A_62, %dma_wait3A_73, %dma_wait3A_74] : memref<62500x16x64xf32, #tpu.memory_space<hbm>> -> memref<1x32x64xf32, #tpu.memory_space<hbm>>
    %dma_wait3A_76 = tpu.memref_squeeze %dma_wait3A_75 : memref<1x32x64xf32, #tpu.memory_space<hbm>> -> memref<32x64xf32, #tpu.memory_space<hbm>>
    tpu.wait_dma2 semaphore(%arg16 : memref<!tpu.dma_semaphore, #tpu.memory_space<semaphore_mem>>) src(%dma_wait3A_76 : memref<32x64xf32, #tpu.memory_space<hbm>>) dst(%dma_wait3A_72 : memref<32x64xf32, #tpu.memory_space<vmem>>)
    %scan3A_77 = arith.constant 0 : i32
    %scan3A_78 = arith.constant 128 : i32
    %scan3A_79 = arith.addi %scan3A_77, %scan3A_78 : i32
    %scan3A_80 = arith.constant 1 : i32
    scf.for %scan3A_295 = %scan3A_77 to %scan3A_79 step %scan3A_80  : i32 {
      %get3A = arith.index_cast %scan3A_295 : i32 to index
      %get3A_296 = arith.constant 0 : index
      %get3A_297 = tpu.vector_load %arg10[%get3A, %get3A_296] {strides = array<i32>} : memref<128x64xf32, #tpu.memory_space<vmem>>, vector<1x16xf32>,
      %get3A_298 = vector.shape_cast %get3A_297 : vector<1x16xf32> to vector<16xf32>
      %add3A_299 = arith.constant 0 : i32
      %add3A_300 = arith.addi %add3A_299, %scan3A_295 : i32
      %get3A_301 = arith.index_cast %add3A_300 : i32 to index
      %get3A_302 = arith.constant 0 : index
      %get3A_303 = tpu.vector_load %arg12[%get3A_301, %get3A_302] {strides = array<i32>} : memref<512x128xf32, #tpu.memory_space<vmem>>, vector<1x16xf32>,
      %get3A_304 = vector.shape_cast %get3A_303 : vector<1x16xf32> to vector<16xf32>
      %mul3A_305 = arith.mulf %get3A_298, %get3A_304 : vector<16xf32>
      %swap3A = arith.index_cast %scan3A_295 : i32 to index
      %swap3A_306 = arith.constant 0 : index
      %swap3A_307 = tpu.vector_load %arg10[%swap3A, %swap3A_306] {strides = array<i32>} : memref<128x64xf32, #tpu.memory_space<vmem>>, vector<1x16xf32>,
      %swap3A_308 = vector.shape_cast %swap3A_307 : vector<1x16xf32> to vector<16xf32>
      %swap3A_309 = vector.shape_cast %mul3A_305 : vector<16xf32> to vector<1x16xf32>
      tpu.vector_store %arg10[%swap3A, %swap3A_306], %swap3A_309 {strides = array<i32>} : memref<128x64xf32, #tpu.memory_space<vmem>>, vector<1x16xf32>,
      %get3A_310 = arith.index_cast %scan3A_295 : i32 to index
      %get3A_311 = arith.constant 16 : index
      %get3A_312 = tpu.vector_load %arg10[%get3A_310, %get3A_311] {strides = array<i32>} : memref<128x64xf32, #tpu.memory_space<vmem>>, vector<1x16xf32>,
      %get3A_313 = vector.shape_cast %get3A_312 : vector<1x16xf32> to vector<16xf32>
      %add3A_314 = arith.constant 0 : i32
      %add3A_315 = arith.addi %add3A_314, %scan3A_295 : i32
      %get3A_316 = arith.index_cast %add3A_315 : i32 to index
      %get3A_317 = arith.constant 16 : index
      %get3A_318 = tpu.vector_load %arg12[%get3A_316, %get3A_317] {strides = array<i32>} : memref<512x128xf32, #tpu.memory_space<vmem>>, vector<1x16xf32>,
      %get3A_319 = vector.shape_cast %get3A_318 : vector<1x16xf32> to vector<16xf32>
      %mul3A_320 = arith.mulf %get3A_313, %get3A_319 : vector<16xf32>
      %swap3A_321 = arith.index_cast %scan3A_295 : i32 to index
      %swap3A_322 = arith.constant 16 : index
      %swap3A_323 = tpu.vector_load %arg10[%swap3A_321, %swap3A_322] {strides = array<i32>} : memref<128x64xf32, #tpu.memory_space<vmem>>, vector<1x16xf32>,
      %swap3A_324 = vector.shape_cast %swap3A_323 : vector<1x16xf32> to vector<16xf32>
      %swap3A_325 = vector.shape_cast %mul3A_320 : vector<16xf32> to vector<1x16xf32>
      tpu.vector_store %arg10[%swap3A_321, %swap3A_322], %swap3A_325 {strides = array<i32>} : memref<128x64xf32, #tpu.memory_space<vmem>>, vector<1x16xf32>,
      %get3A_326 = arith.index_cast %scan3A_295 : i32 to index
      %get3A_327 = arith.constant 32 : index
      %get3A_328 = tpu.vector_load %arg10[%get3A_326, %get3A_327] {strides = array<i32>} : memref<128x64xf32, #tpu.memory_space<vmem>>, vector<1x16xf32>,
      %get3A_329 = vector.shape_cast %get3A_328 : vector<1x16xf32> to vector<16xf32>
      %add3A_330 = arith.constant 0 : i32
      %add3A_331 = arith.addi %add3A_330, %scan3A_295 : i32
      %get3A_332 = arith.index_cast %add3A_331 : i32 to index
      %get3A_333 = arith.constant 32 : index
      %get3A_334 = tpu.vector_load %arg12[%get3A_332, %get3A_333] {strides = array<i32>} : memref<512x128xf32, #tpu.memory_space<vmem>>, vector<1x16xf32>,
      %get3A_335 = vector.shape_cast %get3A_334 : vector<1x16xf32> to vector<16xf32>
      %mul3A_336 = arith.mulf %get3A_329, %get3A_335 : vector<16xf32>
      %swap3A_337 = arith.index_cast %scan3A_295 : i32 to index
      %swap3A_338 = arith.constant 32 : index
      %swap3A_339 = tpu.vector_load %arg10[%swap3A_337, %swap3A_338] {strides = array<i32>} : memref<128x64xf32, #tpu.memory_space<vmem>>, vector<1x16xf32>,
      %swap3A_340 = vector.shape_cast %swap3A_339 : vector<1x16xf32> to vector<16xf32>
      %swap3A_341 = vector.shape_cast %mul3A_336 : vector<16xf32> to vector<1x16xf32>
      tpu.vector_store %arg10[%swap3A_337, %swap3A_338], %swap3A_341 {strides = array<i32>} : memref<128x64xf32, #tpu.memory_space<vmem>>, vector<1x16xf32>,
      %get3A_342 = arith.index_cast %scan3A_295 : i32 to index
      %get3A_343 = arith.constant 48 : index
      %get3A_344 = tpu.vector_load %arg10[%get3A_342, %get3A_343] {strides = array<i32>} : memref<128x64xf32, #tpu.memory_space<vmem>>, vector<1x16xf32>,
      %get3A_345 = vector.shape_cast %get3A_344 : vector<1x16xf32> to vector<16xf32>
      %add3A_346 = arith.constant 0 : i32
      %add3A_347 = arith.addi %add3A_346, %scan3A_295 : i32
      %get3A_348 = arith.index_cast %add3A_347 : i32 to index
      %get3A_349 = arith.constant 48 : index
      %get3A_350 = tpu.vector_load %arg12[%get3A_348, %get3A_349] {strides = array<i32>} : memref<512x128xf32, #tpu.memory_space<vmem>>, vector<1x16xf32>,
      %get3A_351 = vector.shape_cast %get3A_350 : vector<1x16xf32> to vector<16xf32>
      %mul3A_352 = arith.mulf %get3A_345, %get3A_351 : vector<16xf32>
      %swap3A_353 = arith.index_cast %scan3A_295 : i32 to index
      %swap3A_354 = arith.constant 48 : index
      %swap3A_355 = tpu.vector_load %arg10[%swap3A_353, %swap3A_354] {strides = array<i32>} : memref<128x64xf32, #tpu.memory_space<vmem>>, vector<1x16xf32>,
      %swap3A_356 = vector.shape_cast %swap3A_355 : vector<1x16xf32> to vector<16xf32>
      %swap3A_357 = vector.shape_cast %mul3A_352 : vector<16xf32> to vector<1x16xf32>
      tpu.vector_store %arg10[%swap3A_353, %swap3A_354], %swap3A_357 {strides = array<i32>} : memref<128x64xf32, #tpu.memory_space<vmem>>, vector<1x16xf32>,
    }
    %scan3A_81 = arith.constant 128 : i32
    %add3A_82 = arith.constant 0 : i32
    %add3A_83 = arith.addi %mul3A_2, %add3A_82 : i32
    "tpu.region"() ({
      %run_scoped3A_295 = tpu.sem_alloc : memref<!tpu.dma_semaphore, #tpu.memory_space<semaphore_mem>>
      %dma_start3A_296 = arith.constant 0 : i32
      %dma_start3A_297 = tpu.memref_slice %arg6[%add3A_83, %dma_start3A_296] : memref<16384x64xf32, #tpu.memory_space<hbm>> -> memref<128x64xf32, #tpu.memory_space<hbm>>
      %dma_start3A_298 = arith.constant 0 : i32
      %dma_start3A_299 = tpu.memref_slice %arg6[%add3A_83, %dma_start3A_298] : memref<16384x64xf32, #tpu.memory_space<hbm>> -> memref<128x64xf32, #tpu.memory_space<hbm>>
      tpu.enqueue_dma source(%arg10 : memref<128x64xf32, #tpu.memory_space<vmem>>) target(%dma_start3A_299 : memref<128x64xf32, #tpu.memory_space<hbm>>) target_semaphore(%run_scoped3A_295 : memref<!tpu.dma_semaphore, #tpu.memory_space<semaphore_mem>>)
      %dma_wait3A_300 = arith.constant 0 : i32
      %dma_wait3A_301 = tpu.memref_slice %arg6[%add3A_83, %dma_wait3A_300] : memref<16384x64xf32, #tpu.memory_space<hbm>> -> memref<128x64xf32, #tpu.memory_space<hbm>>
      %dma_wait3A_302 = arith.constant 0 : i32
      %dma_wait3A_303 = tpu.memref_slice %arg6[%add3A_83, %dma_wait3A_302] : memref<16384x64xf32, #tpu.memory_space<hbm>> -> memref<128x64xf32, #tpu.memory_space<hbm>>
      tpu.wait_dma2 semaphore(%run_scoped3A_295 : memref<!tpu.dma_semaphore, #tpu.memory_space<semaphore_mem>>) src(%arg10 : memref<128x64xf32, #tpu.memory_space<vmem>>) dst(%dma_wait3A_303 : memref<128x64xf32, #tpu.memory_space<hbm>>)
      tpu.yield
    }) : () -> ()
    %scan3A_84 = arith.constant 0 : i32
    %scan3A_85 = arith.constant 32 : i32
    %scan3A_86 = arith.addi %scan3A_84, %scan3A_85 : i32
    %scan3A_87 = arith.constant 1 : i32
    scf.for %scan3A_295 = %scan3A_84 to %scan3A_86 step %scan3A_87  : i32 {
      %mul3A_296 = arith.constant 4 : i32
      %mul3A_297 = arith.muli %scan3A_295, %mul3A_296 : i32
      %add3A_298 = arith.constant 0 : i32
      %add3A_299 = arith.addi %mul3A_297, %add3A_298 : i32
      %add3A_300 = arith.constant 256 : i32
      %add3A_301 = arith.addi %add3A_300, %add3A_299 : i32
      %get3A = arith.index_cast %add3A_301 : i32 to index
      %get3A_302 = memref.load %arg8[%get3A] : memref<512xi32, #tpu.memory_space<smem>>
      %shift_right_logical3A = arith.constant 4 : i32
      %shift_right_logical3A_303 = arith.shrui %get3A_302, %shift_right_logical3A : i32
      %rem3A = arith.constant 16 : i32
      %rem3A_304 = arith.remsi %get3A_302, %rem3A : i32
      %dma_start3A_305 = arith.constant 0 : i32
      %dma_start3A_306 = tpu.memref_slice %arg10[%add3A_299, %dma_start3A_305] : memref<128x64xf32, #tpu.memory_space<vmem>> -> memref<1x64xf32, #tpu.memory_space<vmem>>
      %dma_start3A_307 = tpu.memref_squeeze %dma_start3A_306 : memref<1x64xf32, #tpu.memory_space<vmem>> -> memref<64xf32, #tpu.memory_space<vmem>>
      %dma_start3A_308 = arith.constant 0 : i32
      %dma_start3A_309 = tpu.memref_slice %arg4[%shift_right_logical3A_303, %rem3A_304, %dma_start3A_308] : memref<62500x16x64xf32, #tpu.memory_space<hbm>> -> memref<1x1x64xf32, #tpu.memory_space<hbm>>
      %dma_start3A_310 = tpu.memref_squeeze %dma_start3A_309 : memref<1x1x64xf32, #tpu.memory_space<hbm>> -> memref<64xf32, #tpu.memory_space<hbm>>
      %dma_start3A_311 = arith.constant 0 : i32
      %dma_start3A_312 = tpu.memref_slice %arg10[%add3A_299, %dma_start3A_311] : memref<128x64xf32, #tpu.memory_space<vmem>> -> memref<1x64xf32, #tpu.memory_space<vmem>>
      %dma_start3A_313 = tpu.memref_squeeze %dma_start3A_312 : memref<1x64xf32, #tpu.memory_space<vmem>> -> memref<64xf32, #tpu.memory_space<vmem>>
      %dma_start3A_314 = arith.constant 0 : i32
      %dma_start3A_315 = tpu.memref_slice %arg4[%shift_right_logical3A_303, %rem3A_304, %dma_start3A_314] : memref<62500x16x64xf32, #tpu.memory_space<hbm>> -> memref<1x1x64xf32, #tpu.memory_space<hbm>>
      %dma_start3A_316 = tpu.memref_squeeze %dma_start3A_315 : memref<1x1x64xf32, #tpu.memory_space<hbm>> -> memref<64xf32, #tpu.memory_space<hbm>>
      tpu.enqueue_dma source(%dma_start3A_316 : memref<64xf32, #tpu.memory_space<hbm>>) target(%dma_start3A_313 : memref<64xf32, #tpu.memory_space<vmem>>) target_semaphore(%arg13 : memref<!tpu.dma_semaphore, #tpu.memory_space<semaphore_mem>>)
      %mul3A_317 = arith.constant 4 : i32
      %mul3A_318 = arith.muli %scan3A_295, %mul3A_317 : i32
      %add3A_319 = arith.constant 1 : i32
      %add3A_320 = arith.addi %mul3A_318, %add3A_319 : i32
      %add3A_321 = arith.constant 256 : i32
      %add3A_322 = arith.addi %add3A_321, %add3A_320 : i32
      %get3A_323 = arith.index_cast %add3A_322 : i32 to index
      %get3A_324 = memref.load %arg8[%get3A_323] : memref<512xi32, #tpu.memory_space<smem>>
      %shift_right_logical3A_325 = arith.constant 4 : i32
      %shift_right_logical3A_326 = arith.shrui %get3A_324, %shift_right_logical3A_325 : i32
      %rem3A_327 = arith.constant 16 : i32
      %rem3A_328 = arith.remsi %get3A_324, %rem3A_327 : i32
      %dma_start3A_329 = arith.constant 0 : i32
      %dma_start3A_330 = tpu.memref_slice %arg10[%add3A_320, %dma_start3A_329] : memref<128x64xf32, #tpu.memory_space<vmem>> -> memref<1x64xf32, #tpu.memory_space<vmem>>
      %dma_start3A_331 = tpu.memref_squeeze %dma_start3A_330 : memref<1x64xf32, #tpu.memory_space<vmem>> -> memref<64xf32, #tpu.memory_space<vmem>>
      %dma_start3A_332 = arith.constant 0 : i32
      %dma_start3A_333 = tpu.memref_slice %arg4[%shift_right_logical3A_326, %rem3A_328, %dma_start3A_332] : memref<62500x16x64xf32, #tpu.memory_space<hbm>> -> memref<1x1x64xf32, #tpu.memory_space<hbm>>
      %dma_start3A_334 = tpu.memref_squeeze %dma_start3A_333 : memref<1x1x64xf32, #tpu.memory_space<hbm>> -> memref<64xf32, #tpu.memory_space<hbm>>
      %dma_start3A_335 = arith.constant 0 : i32
      %dma_start3A_336 = tpu.memref_slice %arg10[%add3A_320, %dma_start3A_335] : memref<128x64xf32, #tpu.memory_space<vmem>> -> memref<1x64xf32, #tpu.memory_space<vmem>>
      %dma_start3A_337 = tpu.memref_squeeze %dma_start3A_336 : memref<1x64xf32, #tpu.memory_space<vmem>> -> memref<64xf32, #tpu.memory_space<vmem>>
      %dma_start3A_338 = arith.constant 0 : i32
      %dma_start3A_339 = tpu.memref_slice %arg4[%shift_right_logical3A_326, %rem3A_328, %dma_start3A_338] : memref<62500x16x64xf32, #tpu.memory_space<hbm>> -> memref<1x1x64xf32, #tpu.memory_space<hbm>>
      %dma_start3A_340 = tpu.memref_squeeze %dma_start3A_339 : memref<1x1x64xf32, #tpu.memory_space<hbm>> -> memref<64xf32, #tpu.memory_space<hbm>>
      tpu.enqueue_dma source(%dma_start3A_340 : memref<64xf32, #tpu.memory_space<hbm>>) target(%dma_start3A_337 : memref<64xf32, #tpu.memory_space<vmem>>) target_semaphore(%arg14 : memref<!tpu.dma_semaphore, #tpu.memory_space<semaphore_mem>>)
      %mul3A_341 = arith.constant 4 : i32
      %mul3A_342 = arith.muli %scan3A_295, %mul3A_341 : i32
      %add3A_343 = arith.constant 2 : i32
      %add3A_344 = arith.addi %mul3A_342, %add3A_343 : i32
      %add3A_345 = arith.constant 256 : i32
      %add3A_346 = arith.addi %add3A_345, %add3A_344 : i32
      %get3A_347 = arith.index_cast %add3A_346 : i32 to index
      %get3A_348 = memref.load %arg8[%get3A_347] : memref<512xi32, #tpu.memory_space<smem>>
      %shift_right_logical3A_349 = arith.constant 4 : i32
      %shift_right_logical3A_350 = arith.shrui %get3A_348, %shift_right_logical3A_349 : i32
      %rem3A_351 = arith.constant 16 : i32
      %rem3A_352 = arith.remsi %get3A_348, %rem3A_351 : i32
      %dma_start3A_353 = arith.constant 0 : i32
      %dma_start3A_354 = tpu.memref_slice %arg10[%add3A_344, %dma_start3A_353] : memref<128x64xf32, #tpu.memory_space<vmem>> -> memref<1x64xf32, #tpu.memory_space<vmem>>
      %dma_start3A_355 = tpu.memref_squeeze %dma_start3A_354 : memref<1x64xf32, #tpu.memory_space<vmem>> -> memref<64xf32, #tpu.memory_space<vmem>>
      %dma_start3A_356 = arith.constant 0 : i32
      %dma_start3A_357 = tpu.memref_slice %arg4[%shift_right_logical3A_350, %rem3A_352, %dma_start3A_356] : memref<62500x16x64xf32, #tpu.memory_space<hbm>> -> memref<1x1x64xf32, #tpu.memory_space<hbm>>
      %dma_start3A_358 = tpu.memref_squeeze %dma_start3A_357 : memref<1x1x64xf32, #tpu.memory_space<hbm>> -> memref<64xf32, #tpu.memory_space<hbm>>
      %dma_start3A_359 = arith.constant 0 : i32
      %dma_start3A_360 = tpu.memref_slice %arg10[%add3A_344, %dma_start3A_359] : memref<128x64xf32, #tpu.memory_space<vmem>> -> memref<1x64xf32, #tpu.memory_space<vmem>>
      %dma_start3A_361 = tpu.memref_squeeze %dma_start3A_360 : memref<1x64xf32, #tpu.memory_space<vmem>> -> memref<64xf32, #tpu.memory_space<vmem>>
      %dma_start3A_362 = arith.constant 0 : i32
      %dma_start3A_363 = tpu.memref_slice %arg4[%shift_right_logical3A_350, %rem3A_352, %dma_start3A_362] : memref<62500x16x64xf32, #tpu.memory_space<hbm>> -> memref<1x1x64xf32, #tpu.memory_space<hbm>>
      %dma_start3A_364 = tpu.memref_squeeze %dma_start3A_363 : memref<1x1x64xf32, #tpu.memory_space<hbm>> -> memref<64xf32, #tpu.memory_space<hbm>>
      tpu.enqueue_dma source(%dma_start3A_364 : memref<64xf32, #tpu.memory_space<hbm>>) target(%dma_start3A_361 : memref<64xf32, #tpu.memory_space<vmem>>) target_semaphore(%arg15 : memref<!tpu.dma_semaphore, #tpu.memory_space<semaphore_mem>>)
      %mul3A_365 = arith.constant 4 : i32
      %mul3A_366 = arith.muli %scan3A_295, %mul3A_365 : i32
      %add3A_367 = arith.constant 3 : i32
      %add3A_368 = arith.addi %mul3A_366, %add3A_367 : i32
      %add3A_369 = arith.constant 256 : i32
      %add3A_370 = arith.addi %add3A_369, %add3A_368 : i32
      %get3A_371 = arith.index_cast %add3A_370 : i32 to index
      %get3A_372 = memref.load %arg8[%get3A_371] : memref<512xi32, #tpu.memory_space<smem>>
      %shift_right_logical3A_373 = arith.constant 4 : i32
      %shift_right_logical3A_374 = arith.shrui %get3A_372, %shift_right_logical3A_373 : i32
      %rem3A_375 = arith.constant 16 : i32
      %rem3A_376 = arith.remsi %get3A_372, %rem3A_375 : i32
      %dma_start3A_377 = arith.constant 0 : i32
      %dma_start3A_378 = tpu.memref_slice %arg10[%add3A_368, %dma_start3A_377] : memref<128x64xf32, #tpu.memory_space<vmem>> -> memref<1x64xf32, #tpu.memory_space<vmem>>
      %dma_start3A_379 = tpu.memref_squeeze %dma_start3A_378 : memref<1x64xf32, #tpu.memory_space<vmem>> -> memref<64xf32, #tpu.memory_space<vmem>>
      %dma_start3A_380 = arith.constant 0 : i32
      %dma_start3A_381 = tpu.memref_slice %arg4[%shift_right_logical3A_374, %rem3A_376, %dma_start3A_380] : memref<62500x16x64xf32, #tpu.memory_space<hbm>> -> memref<1x1x64xf32, #tpu.memory_space<hbm>>
      %dma_start3A_382 = tpu.memref_squeeze %dma_start3A_381 : memref<1x1x64xf32, #tpu.memory_space<hbm>> -> memref<64xf32, #tpu.memory_space<hbm>>
      %dma_start3A_383 = arith.constant 0 : i32
      %dma_start3A_384 = tpu.memref_slice %arg10[%add3A_368, %dma_start3A_383] : memref<128x64xf32, #tpu.memory_space<vmem>> -> memref<1x64xf32, #tpu.memory_space<vmem>>
      %dma_start3A_385 = tpu.memref_squeeze %dma_start3A_384 : memref<1x64xf32, #tpu.memory_space<vmem>> -> memref<64xf32, #tpu.memory_space<vmem>>
      %dma_start3A_386 = arith.constant 0 : i32
      %dma_start3A_387 = tpu.memref_slice %arg4[%shift_right_logical3A_374, %rem3A_376, %dma_start3A_386] : memref<62500x16x64xf32, #tpu.memory_space<hbm>> -> memref<1x1x64xf32, #tpu.memory_space<hbm>>
      %dma_start3A_388 = tpu.memref_squeeze %dma_start3A_387 : memref<1x1x64xf32, #tpu.memory_space<hbm>> -> memref<64xf32, #tpu.memory_space<hbm>>
      tpu.enqueue_dma source(%dma_start3A_388 : memref<64xf32, #tpu.memory_space<hbm>>) target(%dma_start3A_385 : memref<64xf32, #tpu.memory_space<vmem>>) target_semaphore(%arg16 : memref<!tpu.dma_semaphore, #tpu.memory_space<semaphore_mem>>)
    }
    %scan3A_88 = arith.constant 32 : i32
    %dma_wait3A_89 = arith.constant 0 : i32
    %dma_wait3A_90 = arith.constant 0 : i32
    %dma_wait3A_91 = arith.constant 0 : i32
    %dma_wait3A_92 = tpu.memref_slice %arg11[%dma_wait3A_90, %dma_wait3A_91] : memref<128x64xf32, #tpu.memory_space<vmem>> -> memref<32x64xf32, #tpu.memory_space<vmem>>
    %dma_wait3A_93 = arith.constant 0 : i32
    %dma_wait3A_94 = arith.constant 0 : i32
    %dma_wait3A_95 = tpu.memref_slice %arg4[%dma_wait3A_89, %dma_wait3A_93, %dma_wait3A_94] : memref<62500x16x64xf32, #tpu.memory_space<hbm>> -> memref<1x32x64xf32, #tpu.memory_space<hbm>>
    %dma_wait3A_96 = tpu.memref_squeeze %dma_wait3A_95 : memref<1x32x64xf32, #tpu.memory_space<hbm>> -> memref<32x64xf32, #tpu.memory_space<hbm>>
    %dma_wait3A_97 = arith.constant 0 : i32
    %dma_wait3A_98 = arith.constant 0 : i32
    %dma_wait3A_99 = tpu.memref_slice %arg11[%dma_wait3A_97, %dma_wait3A_98] : memref<128x64xf32, #tpu.memory_space<vmem>> -> memref<32x64xf32, #tpu.memory_space<vmem>>
    %dma_wait3A_100 = arith.constant 0 : i32
    %dma_wait3A_101 = arith.constant 0 : i32
    %dma_wait3A_102 = tpu.memref_slice %arg4[%dma_wait3A_89, %dma_wait3A_100, %dma_wait3A_101] : memref<62500x16x64xf32, #tpu.memory_space<hbm>> -> memref<1x32x64xf32, #tpu.memory_space<hbm>>
    %dma_wait3A_103 = tpu.memref_squeeze %dma_wait3A_102 : memref<1x32x64xf32, #tpu.memory_space<hbm>> -> memref<32x64xf32, #tpu.memory_space<hbm>>
    tpu.wait_dma2 semaphore(%arg17 : memref<!tpu.dma_semaphore, #tpu.memory_space<semaphore_mem>>) src(%dma_wait3A_103 : memref<32x64xf32, #tpu.memory_space<hbm>>) dst(%dma_wait3A_99 : memref<32x64xf32, #tpu.memory_space<vmem>>)
    %dma_wait3A_104 = arith.constant 0 : i32
    %dma_wait3A_105 = arith.constant 0 : i32
    %dma_wait3A_106 = arith.constant 0 : i32
    %dma_wait3A_107 = tpu.memref_slice %arg11[%dma_wait3A_105, %dma_wait3A_106] : memref<128x64xf32, #tpu.memory_space<vmem>> -> memref<32x64xf32, #tpu.memory_space<vmem>>
    %dma_wait3A_108 = arith.constant 0 : i32
    %dma_wait3A_109 = arith.constant 0 : i32
    %dma_wait3A_110 = tpu.memref_slice %arg4[%dma_wait3A_104, %dma_wait3A_108, %dma_wait3A_109] : memref<62500x16x64xf32, #tpu.memory_space<hbm>> -> memref<1x32x64xf32, #tpu.memory_space<hbm>>
    %dma_wait3A_111 = tpu.memref_squeeze %dma_wait3A_110 : memref<1x32x64xf32, #tpu.memory_space<hbm>> -> memref<32x64xf32, #tpu.memory_space<hbm>>
    %dma_wait3A_112 = arith.constant 0 : i32
    %dma_wait3A_113 = arith.constant 0 : i32
    %dma_wait3A_114 = tpu.memref_slice %arg11[%dma_wait3A_112, %dma_wait3A_113] : memref<128x64xf32, #tpu.memory_space<vmem>> -> memref<32x64xf32, #tpu.memory_space<vmem>>
    %dma_wait3A_115 = arith.constant 0 : i32
    %dma_wait3A_116 = arith.constant 0 : i32
    %dma_wait3A_117 = tpu.memref_slice %arg4[%dma_wait3A_104, %dma_wait3A_115, %dma_wait3A_116] : memref<62500x16x64xf32, #tpu.memory_space<hbm>> -> memref<1x32x64xf32, #tpu.memory_space<hbm>>
    %dma_wait3A_118 = tpu.memref_squeeze %dma_wait3A_117 : memref<1x32x64xf32, #tpu.memory_space<hbm>> -> memref<32x64xf32, #tpu.memory_space<hbm>>
    tpu.wait_dma2 semaphore(%arg18 : memref<!tpu.dma_semaphore, #tpu.memory_space<semaphore_mem>>) src(%dma_wait3A_118 : memref<32x64xf32, #tpu.memory_space<hbm>>) dst(%dma_wait3A_114 : memref<32x64xf32, #tpu.memory_space<vmem>>)
    %dma_wait3A_119 = arith.constant 0 : i32
    %dma_wait3A_120 = arith.constant 0 : i32
    %dma_wait3A_121 = arith.constant 0 : i32
    %dma_wait3A_122 = tpu.memref_slice %arg11[%dma_wait3A_120, %dma_wait3A_121] : memref<128x64xf32, #tpu.memory_space<vmem>> -> memref<32x64xf32, #tpu.memory_space<vmem>>
    %dma_wait3A_123 = arith.constant 0 : i32
    %dma_wait3A_124 = arith.constant 0 : i32
    %dma_wait3A_125 = tpu.memref_slice %arg4[%dma_wait3A_119, %dma_wait3A_123, %dma_wait3A_124] : memref<62500x16x64xf32, #tpu.memory_space<hbm>> -> memref<1x32x64xf32, #tpu.memory_space<hbm>>
    %dma_wait3A_126 = tpu.memref_squeeze %dma_wait3A_125 : memref<1x32x64xf32, #tpu.memory_space<hbm>> -> memref<32x64xf32, #tpu.memory_space<hbm>>
    %dma_wait3A_127 = arith.constant 0 : i32
    %dma_wait3A_128 = arith.constant 0 : i32
    %dma_wait3A_129 = tpu.memref_slice %arg11[%dma_wait3A_127, %dma_wait3A_128] : memref<128x64xf32, #tpu.memory_space<vmem>> -> memref<32x64xf32, #tpu.memory_space<vmem>>
    %dma_wait3A_130 = arith.constant 0 : i32
    %dma_wait3A_131 = arith.constant 0 : i32
    %dma_wait3A_132 = tpu.memref_slice %arg4[%dma_wait3A_119, %dma_wait3A_130, %dma_wait3A_131] : memref<62500x16x64xf32, #tpu.memory_space<hbm>> -> memref<1x32x64xf32, #tpu.memory_space<hbm>>
    %dma_wait3A_133 = tpu.memref_squeeze %dma_wait3A_132 : memref<1x32x64xf32, #tpu.memory_space<hbm>> -> memref<32x64xf32, #tpu.memory_space<hbm>>
    tpu.wait_dma2 semaphore(%arg19 : memref<!tpu.dma_semaphore, #tpu.memory_space<semaphore_mem>>) src(%dma_wait3A_133 : memref<32x64xf32, #tpu.memory_space<hbm>>) dst(%dma_wait3A_129 : memref<32x64xf32, #tpu.memory_space<vmem>>)
    %dma_wait3A_134 = arith.constant 0 : i32
    %dma_wait3A_135 = arith.constant 0 : i32
    %dma_wait3A_136 = arith.constant 0 : i32
    %dma_wait3A_137 = tpu.memref_slice %arg11[%dma_wait3A_135, %dma_wait3A_136] : memref<128x64xf32, #tpu.memory_space<vmem>> -> memref<32x64xf32, #tpu.memory_space<vmem>>
    %dma_wait3A_138 = arith.constant 0 : i32
    %dma_wait3A_139 = arith.constant 0 : i32
    %dma_wait3A_140 = tpu.memref_slice %arg4[%dma_wait3A_134, %dma_wait3A_138, %dma_wait3A_139] : memref<62500x16x64xf32, #tpu.memory_space<hbm>> -> memref<1x32x64xf32, #tpu.memory_space<hbm>>
    %dma_wait3A_141 = tpu.memref_squeeze %dma_wait3A_140 : memref<1x32x64xf32, #tpu.memory_space<hbm>> -> memref<32x64xf32, #tpu.memory_space<hbm>>
    %dma_wait3A_142 = arith.constant 0 : i32
    %dma_wait3A_143 = arith.constant 0 : i32
    %dma_wait3A_144 = tpu.memref_slice %arg11[%dma_wait3A_142, %dma_wait3A_143] : memref<128x64xf32, #tpu.memory_space<vmem>> -> memref<32x64xf32, #tpu.memory_space<vmem>>
    %dma_wait3A_145 = arith.constant 0 : i32
    %dma_wait3A_146 = arith.constant 0 : i32
    %dma_wait3A_147 = tpu.memref_slice %arg4[%dma_wait3A_134, %dma_wait3A_145, %dma_wait3A_146] : memref<62500x16x64xf32, #tpu.memory_space<hbm>> -> memref<1x32x64xf32, #tpu.memory_space<hbm>>
    %dma_wait3A_148 = tpu.memref_squeeze %dma_wait3A_147 : memref<1x32x64xf32, #tpu.memory_space<hbm>> -> memref<32x64xf32, #tpu.memory_space<hbm>>
    tpu.wait_dma2 semaphore(%arg20 : memref<!tpu.dma_semaphore, #tpu.memory_space<semaphore_mem>>) src(%dma_wait3A_148 : memref<32x64xf32, #tpu.memory_space<hbm>>) dst(%dma_wait3A_144 : memref<32x64xf32, #tpu.memory_space<vmem>>)
    %scan3A_149 = arith.constant 0 : i32
    %scan3A_150 = arith.constant 128 : i32
    %scan3A_151 = arith.addi %scan3A_149, %scan3A_150 : i32
    %scan3A_152 = arith.constant 1 : i32
    scf.for %scan3A_295 = %scan3A_149 to %scan3A_151 step %scan3A_152  : i32 {
      %get3A = arith.index_cast %scan3A_295 : i32 to index
      %get3A_296 = arith.constant 0 : index
      %get3A_297 = tpu.vector_load %arg11[%get3A, %get3A_296] {strides = array<i32>} : memref<128x64xf32, #tpu.memory_space<vmem>>, vector<1x16xf32>,
      %get3A_298 = vector.shape_cast %get3A_297 : vector<1x16xf32> to vector<16xf32>
      %add3A_299 = arith.constant 128 : i32
      %add3A_300 = arith.addi %add3A_299, %scan3A_295 : i32
      %get3A_301 = arith.index_cast %add3A_300 : i32 to index
      %get3A_302 = arith.constant 0 : index
      %get3A_303 = tpu.vector_load %arg12[%get3A_301, %get3A_302] {strides = array<i32>} : memref<512x128xf32, #tpu.memory_space<vmem>>, vector<1x16xf32>,
      %get3A_304 = vector.shape_cast %get3A_303 : vector<1x16xf32> to vector<16xf32>
      %mul3A_305 = arith.mulf %get3A_298, %get3A_304 : vector<16xf32>
      %swap3A = arith.index_cast %scan3A_295 : i32 to index
      %swap3A_306 = arith.constant 0 : index
      %swap3A_307 = tpu.vector_load %arg11[%swap3A, %swap3A_306] {strides = array<i32>} : memref<128x64xf32, #tpu.memory_space<vmem>>, vector<1x16xf32>,
      %swap3A_308 = vector.shape_cast %swap3A_307 : vector<1x16xf32> to vector<16xf32>
      %swap3A_309 = vector.shape_cast %mul3A_305 : vector<16xf32> to vector<1x16xf32>
      tpu.vector_store %arg11[%swap3A, %swap3A_306], %swap3A_309 {strides = array<i32>} : memref<128x64xf32, #tpu.memory_space<vmem>>, vector<1x16xf32>,
      %get3A_310 = arith.index_cast %scan3A_295 : i32 to index
      %get3A_311 = arith.constant 16 : index
      %get3A_312 = tpu.vector_load %arg11[%get3A_310, %get3A_311] {strides = array<i32>} : memref<128x64xf32, #tpu.memory_space<vmem>>, vector<1x16xf32>,
      %get3A_313 = vector.shape_cast %get3A_312 : vector<1x16xf32> to vector<16xf32>
      %add3A_314 = arith.constant 128 : i32
      %add3A_315 = arith.addi %add3A_314, %scan3A_295 : i32
      %get3A_316 = arith.index_cast %add3A_315 : i32 to index
      %get3A_317 = arith.constant 16 : index
      %get3A_318 = tpu.vector_load %arg12[%get3A_316, %get3A_317] {strides = array<i32>} : memref<512x128xf32, #tpu.memory_space<vmem>>, vector<1x16xf32>,
      %get3A_319 = vector.shape_cast %get3A_318 : vector<1x16xf32> to vector<16xf32>
      %mul3A_320 = arith.mulf %get3A_313, %get3A_319 : vector<16xf32>
      %swap3A_321 = arith.index_cast %scan3A_295 : i32 to index
      %swap3A_322 = arith.constant 16 : index
      %swap3A_323 = tpu.vector_load %arg11[%swap3A_321, %swap3A_322] {strides = array<i32>} : memref<128x64xf32, #tpu.memory_space<vmem>>, vector<1x16xf32>,
      %swap3A_324 = vector.shape_cast %swap3A_323 : vector<1x16xf32> to vector<16xf32>
      %swap3A_325 = vector.shape_cast %mul3A_320 : vector<16xf32> to vector<1x16xf32>
      tpu.vector_store %arg11[%swap3A_321, %swap3A_322], %swap3A_325 {strides = array<i32>} : memref<128x64xf32, #tpu.memory_space<vmem>>, vector<1x16xf32>,
      %get3A_326 = arith.index_cast %scan3A_295 : i32 to index
      %get3A_327 = arith.constant 32 : index
      %get3A_328 = tpu.vector_load %arg11[%get3A_326, %get3A_327] {strides = array<i32>} : memref<128x64xf32, #tpu.memory_space<vmem>>, vector<1x16xf32>,
      %get3A_329 = vector.shape_cast %get3A_328 : vector<1x16xf32> to vector<16xf32>
      %add3A_330 = arith.constant 128 : i32
      %add3A_331 = arith.addi %add3A_330, %scan3A_295 : i32
      %get3A_332 = arith.index_cast %add3A_331 : i32 to index
      %get3A_333 = arith.constant 32 : index
      %get3A_334 = tpu.vector_load %arg12[%get3A_332, %get3A_333] {strides = array<i32>} : memref<512x128xf32, #tpu.memory_space<vmem>>, vector<1x16xf32>,
      %get3A_335 = vector.shape_cast %get3A_334 : vector<1x16xf32> to vector<16xf32>
      %mul3A_336 = arith.mulf %get3A_329, %get3A_335 : vector<16xf32>
      %swap3A_337 = arith.index_cast %scan3A_295 : i32 to index
      %swap3A_338 = arith.constant 32 : index
      %swap3A_339 = tpu.vector_load %arg11[%swap3A_337, %swap3A_338] {strides = array<i32>} : memref<128x64xf32, #tpu.memory_space<vmem>>, vector<1x16xf32>,
      %swap3A_340 = vector.shape_cast %swap3A_339 : vector<1x16xf32> to vector<16xf32>
      %swap3A_341 = vector.shape_cast %mul3A_336 : vector<16xf32> to vector<1x16xf32>
      tpu.vector_store %arg11[%swap3A_337, %swap3A_338], %swap3A_341 {strides = array<i32>} : memref<128x64xf32, #tpu.memory_space<vmem>>, vector<1x16xf32>,
      %get3A_342 = arith.index_cast %scan3A_295 : i32 to index
      %get3A_343 = arith.constant 48 : index
      %get3A_344 = tpu.vector_load %arg11[%get3A_342, %get3A_343] {strides = array<i32>} : memref<128x64xf32, #tpu.memory_space<vmem>>, vector<1x16xf32>,
      %get3A_345 = vector.shape_cast %get3A_344 : vector<1x16xf32> to vector<16xf32>
      %add3A_346 = arith.constant 128 : i32
      %add3A_347 = arith.addi %add3A_346, %scan3A_295 : i32
      %get3A_348 = arith.index_cast %add3A_347 : i32 to index
      %get3A_349 = arith.constant 48 : index
      %get3A_350 = tpu.vector_load %arg12[%get3A_348, %get3A_349] {strides = array<i32>} : memref<512x128xf32, #tpu.memory_space<vmem>>, vector<1x16xf32>,
      %get3A_351 = vector.shape_cast %get3A_350 : vector<1x16xf32> to vector<16xf32>
      %mul3A_352 = arith.mulf %get3A_345, %get3A_351 : vector<16xf32>
      %swap3A_353 = arith.index_cast %scan3A_295 : i32 to index
      %swap3A_354 = arith.constant 48 : index
      %swap3A_355 = tpu.vector_load %arg11[%swap3A_353, %swap3A_354] {strides = array<i32>} : memref<128x64xf32, #tpu.memory_space<vmem>>, vector<1x16xf32>,
      %swap3A_356 = vector.shape_cast %swap3A_355 : vector<1x16xf32> to vector<16xf32>
      %swap3A_357 = vector.shape_cast %mul3A_352 : vector<16xf32> to vector<1x16xf32>
      tpu.vector_store %arg11[%swap3A_353, %swap3A_354], %swap3A_357 {strides = array<i32>} : memref<128x64xf32, #tpu.memory_space<vmem>>, vector<1x16xf32>,
    }
    %scan3A_153 = arith.constant 128 : i32
    %add3A_154 = arith.constant 128 : i32
    %add3A_155 = arith.addi %mul3A_2, %add3A_154 : i32
    "tpu.region"() ({
      %run_scoped3A_295 = tpu.sem_alloc : memref<!tpu.dma_semaphore, #tpu.memory_space<semaphore_mem>>
      %dma_start3A_296 = arith.constant 0 : i32
      %dma_start3A_297 = tpu.memref_slice %arg6[%add3A_155, %dma_start3A_296] : memref<16384x64xf32, #tpu.memory_space<hbm>> -> memref<128x64xf32, #tpu.memory_space<hbm>>
      %dma_start3A_298 = arith.constant 0 : i32
      %dma_start3A_299 = tpu.memref_slice %arg6[%add3A_155, %dma_start3A_298] : memref<16384x64xf32, #tpu.memory_space<hbm>> -> memref<128x64xf32, #tpu.memory_space<hbm>>
      tpu.enqueue_dma source(%arg11 : memref<128x64xf32, #tpu.memory_space<vmem>>) target(%dma_start3A_299 : memref<128x64xf32, #tpu.memory_space<hbm>>) target_semaphore(%run_scoped3A_295 : memref<!tpu.dma_semaphore, #tpu.memory_space<semaphore_mem>>)
      %dma_wait3A_300 = arith.constant 0 : i32
      %dma_wait3A_301 = tpu.memref_slice %arg6[%add3A_155, %dma_wait3A_300] : memref<16384x64xf32, #tpu.memory_space<hbm>> -> memref<128x64xf32, #tpu.memory_space<hbm>>
      %dma_wait3A_302 = arith.constant 0 : i32
      %dma_wait3A_303 = tpu.memref_slice %arg6[%add3A_155, %dma_wait3A_302] : memref<16384x64xf32, #tpu.memory_space<hbm>> -> memref<128x64xf32, #tpu.memory_space<hbm>>
      tpu.wait_dma2 semaphore(%run_scoped3A_295 : memref<!tpu.dma_semaphore, #tpu.memory_space<semaphore_mem>>) src(%arg11 : memref<128x64xf32, #tpu.memory_space<vmem>>) dst(%dma_wait3A_303 : memref<128x64xf32, #tpu.memory_space<hbm>>)
      tpu.yield
    }) : () -> ()
    %scan3A_156 = arith.constant 0 : i32
    %scan3A_157 = arith.constant 32 : i32
    %scan3A_158 = arith.addi %scan3A_156, %scan3A_157 : i32
    %scan3A_159 = arith.constant 1 : i32
    scf.for %scan3A_295 = %scan3A_156 to %scan3A_158 step %scan3A_159  : i32 {
      %mul3A_296 = arith.constant 4 : i32
      %mul3A_297 = arith.muli %scan3A_295, %mul3A_296 : i32
      %add3A_298 = arith.constant 0 : i32
      %add3A_299 = arith.addi %mul3A_297, %add3A_298 : i32
      %add3A_300 = arith.constant 384 : i32
      %add3A_301 = arith.addi %add3A_300, %add3A_299 : i32
      %get3A = arith.index_cast %add3A_301 : i32 to index
      %get3A_302 = memref.load %arg8[%get3A] : memref<512xi32, #tpu.memory_space<smem>>
      %shift_right_logical3A = arith.constant 4 : i32
      %shift_right_logical3A_303 = arith.shrui %get3A_302, %shift_right_logical3A : i32
      %rem3A = arith.constant 16 : i32
      %rem3A_304 = arith.remsi %get3A_302, %rem3A : i32
      %dma_start3A_305 = arith.constant 0 : i32
      %dma_start3A_306 = tpu.memref_slice %arg11[%add3A_299, %dma_start3A_305] : memref<128x64xf32, #tpu.memory_space<vmem>> -> memref<1x64xf32, #tpu.memory_space<vmem>>
      %dma_start3A_307 = tpu.memref_squeeze %dma_start3A_306 : memref<1x64xf32, #tpu.memory_space<vmem>> -> memref<64xf32, #tpu.memory_space<vmem>>
      %dma_start3A_308 = arith.constant 0 : i32
      %dma_start3A_309 = tpu.memref_slice %arg4[%shift_right_logical3A_303, %rem3A_304, %dma_start3A_308] : memref<62500x16x64xf32, #tpu.memory_space<hbm>> -> memref<1x1x64xf32, #tpu.memory_space<hbm>>
      %dma_start3A_310 = tpu.memref_squeeze %dma_start3A_309 : memref<1x1x64xf32, #tpu.memory_space<hbm>> -> memref<64xf32, #tpu.memory_space<hbm>>
      %dma_start3A_311 = arith.constant 0 : i32
      %dma_start3A_312 = tpu.memref_slice %arg11[%add3A_299, %dma_start3A_311] : memref<128x64xf32, #tpu.memory_space<vmem>> -> memref<1x64xf32, #tpu.memory_space<vmem>>
      %dma_start3A_313 = tpu.memref_squeeze %dma_start3A_312 : memref<1x64xf32, #tpu.memory_space<vmem>> -> memref<64xf32, #tpu.memory_space<vmem>>
      %dma_start3A_314 = arith.constant 0 : i32
      %dma_start3A_315 = tpu.memref_slice %arg4[%shift_right_logical3A_303, %rem3A_304, %dma_start3A_314] : memref<62500x16x64xf32, #tpu.memory_space<hbm>> -> memref<1x1x64xf32, #tpu.memory_space<hbm>>
      %dma_start3A_316 = tpu.memref_squeeze %dma_start3A_315 : memref<1x1x64xf32, #tpu.memory_space<hbm>> -> memref<64xf32, #tpu.memory_space<hbm>>
      tpu.enqueue_dma source(%dma_start3A_316 : memref<64xf32, #tpu.memory_space<hbm>>) target(%dma_start3A_313 : memref<64xf32, #tpu.memory_space<vmem>>) target_semaphore(%arg17 : memref<!tpu.dma_semaphore, #tpu.memory_space<semaphore_mem>>)
      %mul3A_317 = arith.constant 4 : i32
      %mul3A_318 = arith.muli %scan3A_295, %mul3A_317 : i32
      %add3A_319 = arith.constant 1 : i32
      %add3A_320 = arith.addi %mul3A_318, %add3A_319 : i32
      %add3A_321 = arith.constant 384 : i32
      %add3A_322 = arith.addi %add3A_321, %add3A_320 : i32
      %get3A_323 = arith.index_cast %add3A_322 : i32 to index
      %get3A_324 = memref.load %arg8[%get3A_323] : memref<512xi32, #tpu.memory_space<smem>>
      %shift_right_logical3A_325 = arith.constant 4 : i32
      %shift_right_logical3A_326 = arith.shrui %get3A_324, %shift_right_logical3A_325 : i32
      %rem3A_327 = arith.constant 16 : i32
      %rem3A_328 = arith.remsi %get3A_324, %rem3A_327 : i32
      %dma_start3A_329 = arith.constant 0 : i32
      %dma_start3A_330 = tpu.memref_slice %arg11[%add3A_320, %dma_start3A_329] : memref<128x64xf32, #tpu.memory_space<vmem>> -> memref<1x64xf32, #tpu.memory_space<vmem>>
      %dma_start3A_331 = tpu.memref_squeeze %dma_start3A_330 : memref<1x64xf32, #tpu.memory_space<vmem>> -> memref<64xf32, #tpu.memory_space<vmem>>
      %dma_start3A_332 = arith.constant 0 : i32
      %dma_start3A_333 = tpu.memref_slice %arg4[%shift_right_logical3A_326, %rem3A_328, %dma_start3A_332] : memref<62500x16x64xf32, #tpu.memory_space<hbm>> -> memref<1x1x64xf32, #tpu.memory_space<hbm>>
      %dma_start3A_334 = tpu.memref_squeeze %dma_start3A_333 : memref<1x1x64xf32, #tpu.memory_space<hbm>> -> memref<64xf32, #tpu.memory_space<hbm>>
      %dma_start3A_335 = arith.constant 0 : i32
      %dma_start3A_336 = tpu.memref_slice %arg11[%add3A_320, %dma_start3A_335] : memref<128x64xf32, #tpu.memory_space<vmem>> -> memref<1x64xf32, #tpu.memory_space<vmem>>
      %dma_start3A_337 = tpu.memref_squeeze %dma_start3A_336 : memref<1x64xf32, #tpu.memory_space<vmem>> -> memref<64xf32, #tpu.memory_space<vmem>>
      %dma_start3A_338 = arith.constant 0 : i32
      %dma_start3A_339 = tpu.memref_slice %arg4[%shift_right_logical3A_326, %rem3A_328, %dma_start3A_338] : memref<62500x16x64xf32, #tpu.memory_space<hbm>> -> memref<1x1x64xf32, #tpu.memory_space<hbm>>
      %dma_start3A_340 = tpu.memref_squeeze %dma_start3A_339 : memref<1x1x64xf32, #tpu.memory_space<hbm>> -> memref<64xf32, #tpu.memory_space<hbm>>
      tpu.enqueue_dma source(%dma_start3A_340 : memref<64xf32, #tpu.memory_space<hbm>>) target(%dma_start3A_337 : memref<64xf32, #tpu.memory_space<vmem>>) target_semaphore(%arg18 : memref<!tpu.dma_semaphore, #tpu.memory_space<semaphore_mem>>)
      %mul3A_341 = arith.constant 4 : i32
      %mul3A_342 = arith.muli %scan3A_295, %mul3A_341 : i32
      %add3A_343 = arith.constant 2 : i32
      %add3A_344 = arith.addi %mul3A_342, %add3A_343 : i32
      %add3A_345 = arith.constant 384 : i32
      %add3A_346 = arith.addi %add3A_345, %add3A_344 : i32
      %get3A_347 = arith.index_cast %add3A_346 : i32 to index
      %get3A_348 = memref.load %arg8[%get3A_347] : memref<512xi32, #tpu.memory_space<smem>>
      %shift_right_logical3A_349 = arith.constant 4 : i32
      %shift_right_logical3A_350 = arith.shrui %get3A_348, %shift_right_logical3A_349 : i32
      %rem3A_351 = arith.constant 16 : i32
      %rem3A_352 = arith.remsi %get3A_348, %rem3A_351 : i32
      %dma_start3A_353 = arith.constant 0 : i32
      %dma_start3A_354 = tpu.memref_slice %arg11[%add3A_344, %dma_start3A_353] : memref<128x64xf32, #tpu.memory_space<vmem>> -> memref<1x64xf32, #tpu.memory_space<vmem>>
      %dma_start3A_355 = tpu.memref_squeeze %dma_start3A_354 : memref<1x64xf32, #tpu.memory_space<vmem>> -> memref<64xf32, #tpu.memory_space<vmem>>
      %dma_start3A_356 = arith.constant 0 : i32
      %dma_start3A_357 = tpu.memref_slice %arg4[%shift_right_logical3A_350, %rem3A_352, %dma_start3A_356] : memref<62500x16x64xf32, #tpu.memory_space<hbm>> -> memref<1x1x64xf32, #tpu.memory_space<hbm>>
      %dma_start3A_358 = tpu.memref_squeeze %dma_start3A_357 : memref<1x1x64xf32, #tpu.memory_space<hbm>> -> memref<64xf32, #tpu.memory_space<hbm>>
      %dma_start3A_359 = arith.constant 0 : i32
      %dma_start3A_360 = tpu.memref_slice %arg11[%add3A_344, %dma_start3A_359] : memref<128x64xf32, #tpu.memory_space<vmem>> -> memref<1x64xf32, #tpu.memory_space<vmem>>
      %dma_start3A_361 = tpu.memref_squeeze %dma_start3A_360 : memref<1x64xf32, #tpu.memory_space<vmem>> -> memref<64xf32, #tpu.memory_space<vmem>>
      %dma_start3A_362 = arith.constant 0 : i32
      %dma_start3A_363 = tpu.memref_slice %arg4[%shift_right_logical3A_350, %rem3A_352, %dma_start3A_362] : memref<62500x16x64xf32, #tpu.memory_space<hbm>> -> memref<1x1x64xf32, #tpu.memory_space<hbm>>
      %dma_start3A_364 = tpu.memref_squeeze %dma_start3A_363 : memref<1x1x64xf32, #tpu.memory_space<hbm>> -> memref<64xf32, #tpu.memory_space<hbm>>
      tpu.enqueue_dma source(%dma_start3A_364 : memref<64xf32, #tpu.memory_space<hbm>>) target(%dma_start3A_361 : memref<64xf32, #tpu.memory_space<vmem>>) target_semaphore(%arg19 : memref<!tpu.dma_semaphore, #tpu.memory_space<semaphore_mem>>)
      %mul3A_365 = arith.constant 4 : i32
      %mul3A_366 = arith.muli %scan3A_295, %mul3A_365 : i32
      %add3A_367 = arith.constant 3 : i32
      %add3A_368 = arith.addi %mul3A_366, %add3A_367 : i32
      %add3A_369 = arith.constant 384 : i32
      %add3A_370 = arith.addi %add3A_369, %add3A_368 : i32
      %get3A_371 = arith.index_cast %add3A_370 : i32 to index
      %get3A_372 = memref.load %arg8[%get3A_371] : memref<512xi32, #tpu.memory_space<smem>>
      %shift_right_logical3A_373 = arith.constant 4 : i32
      %shift_right_logical3A_374 = arith.shrui %get3A_372, %shift_right_logical3A_373 : i32
      %rem3A_375 = arith.constant 16 : i32
      %rem3A_376 = arith.remsi %get3A_372, %rem3A_375 : i32
      %dma_start3A_377 = arith.constant 0 : i32
      %dma_start3A_378 = tpu.memref_slice %arg11[%add3A_368, %dma_start3A_377] : memref<128x64xf32, #tpu.memory_space<vmem>> -> memref<1x64xf32, #tpu.memory_space<vmem>>
      %dma_start3A_379 = tpu.memref_squeeze %dma_start3A_378 : memref<1x64xf32, #tpu.memory_space<vmem>> -> memref<64xf32, #tpu.memory_space<vmem>>
      %dma_start3A_380 = arith.constant 0 : i32
      %dma_start3A_381 = tpu.memref_slice %arg4[%shift_right_logical3A_374, %rem3A_376, %dma_start3A_380] : memref<62500x16x64xf32, #tpu.memory_space<hbm>> -> memref<1x1x64xf32, #tpu.memory_space<hbm>>
      %dma_start3A_382 = tpu.memref_squeeze %dma_start3A_381 : memref<1x1x64xf32, #tpu.memory_space<hbm>> -> memref<64xf32, #tpu.memory_space<hbm>>
      %dma_start3A_383 = arith.constant 0 : i32
      %dma_start3A_384 = tpu.memref_slice %arg11[%add3A_368, %dma_start3A_383] : memref<128x64xf32, #tpu.memory_space<vmem>> -> memref<1x64xf32, #tpu.memory_space<vmem>>
      %dma_start3A_385 = tpu.memref_squeeze %dma_start3A_384 : memref<1x64xf32, #tpu.memory_space<vmem>> -> memref<64xf32, #tpu.memory_space<vmem>>
      %dma_start3A_386 = arith.constant 0 : i32
      %dma_start3A_387 = tpu.memref_slice %arg4[%shift_right_logical3A_374, %rem3A_376, %dma_start3A_386] : memref<62500x16x64xf32, #tpu.memory_space<hbm>> -> memref<1x1x64xf32, #tpu.memory_space<hbm>>
      %dma_start3A_388 = tpu.memref_squeeze %dma_start3A_387 : memref<1x1x64xf32, #tpu.memory_space<hbm>> -> memref<64xf32, #tpu.memory_space<hbm>>
      tpu.enqueue_dma source(%dma_start3A_388 : memref<64xf32, #tpu.memory_space<hbm>>) target(%dma_start3A_385 : memref<64xf32, #tpu.memory_space<vmem>>) target_semaphore(%arg20 : memref<!tpu.dma_semaphore, #tpu.memory_space<semaphore_mem>>)
    }
    %scan3A_160 = arith.constant 32 : i32
    %dma_wait3A_161 = arith.constant 0 : i32
    %dma_wait3A_162 = arith.constant 0 : i32
    %dma_wait3A_163 = arith.constant 0 : i32
    %dma_wait3A_164 = tpu.memref_slice %arg10[%dma_wait3A_162, %dma_wait3A_163] : memref<128x64xf32, #tpu.memory_space<vmem>> -> memref<32x64xf32, #tpu.memory_space<vmem>>
    %dma_wait3A_165 = arith.constant 0 : i32
    %dma_wait3A_166 = arith.constant 0 : i32
    %dma_wait3A_167 = tpu.memref_slice %arg4[%dma_wait3A_161, %dma_wait3A_165, %dma_wait3A_166] : memref<62500x16x64xf32, #tpu.memory_space<hbm>> -> memref<1x32x64xf32, #tpu.memory_space<hbm>>
    %dma_wait3A_168 = tpu.memref_squeeze %dma_wait3A_167 : memref<1x32x64xf32, #tpu.memory_space<hbm>> -> memref<32x64xf32, #tpu.memory_space<hbm>>
    %dma_wait3A_169 = arith.constant 0 : i32
    %dma_wait3A_170 = arith.constant 0 : i32
    %dma_wait3A_171 = tpu.memref_slice %arg10[%dma_wait3A_169, %dma_wait3A_170] : memref<128x64xf32, #tpu.memory_space<vmem>> -> memref<32x64xf32, #tpu.memory_space<vmem>>
    %dma_wait3A_172 = arith.constant 0 : i32
    %dma_wait3A_173 = arith.constant 0 : i32
    %dma_wait3A_174 = tpu.memref_slice %arg4[%dma_wait3A_161, %dma_wait3A_172, %dma_wait3A_173] : memref<62500x16x64xf32, #tpu.memory_space<hbm>> -> memref<1x32x64xf32, #tpu.memory_space<hbm>>
    %dma_wait3A_175 = tpu.memref_squeeze %dma_wait3A_174 : memref<1x32x64xf32, #tpu.memory_space<hbm>> -> memref<32x64xf32, #tpu.memory_space<hbm>>
    tpu.wait_dma2 semaphore(%arg13 : memref<!tpu.dma_semaphore, #tpu.memory_space<semaphore_mem>>) src(%dma_wait3A_175 : memref<32x64xf32, #tpu.memory_space<hbm>>) dst(%dma_wait3A_171 : memref<32x64xf32, #tpu.memory_space<vmem>>)
    %dma_wait3A_176 = arith.constant 0 : i32
    %dma_wait3A_177 = arith.constant 0 : i32
    %dma_wait3A_178 = arith.constant 0 : i32
    %dma_wait3A_179 = tpu.memref_slice %arg10[%dma_wait3A_177, %dma_wait3A_178] : memref<128x64xf32, #tpu.memory_space<vmem>> -> memref<32x64xf32, #tpu.memory_space<vmem>>
    %dma_wait3A_180 = arith.constant 0 : i32
    %dma_wait3A_181 = arith.constant 0 : i32
    %dma_wait3A_182 = tpu.memref_slice %arg4[%dma_wait3A_176, %dma_wait3A_180, %dma_wait3A_181] : memref<62500x16x64xf32, #tpu.memory_space<hbm>> -> memref<1x32x64xf32, #tpu.memory_space<hbm>>
    %dma_wait3A_183 = tpu.memref_squeeze %dma_wait3A_182 : memref<1x32x64xf32, #tpu.memory_space<hbm>> -> memref<32x64xf32, #tpu.memory_space<hbm>>
    %dma_wait3A_184 = arith.constant 0 : i32
    %dma_wait3A_185 = arith.constant 0 : i32
    %dma_wait3A_186 = tpu.memref_slice %arg10[%dma_wait3A_184, %dma_wait3A_185] : memref<128x64xf32, #tpu.memory_space<vmem>> -> memref<32x64xf32, #tpu.memory_space<vmem>>
    %dma_wait3A_187 = arith.constant 0 : i32
    %dma_wait3A_188 = arith.constant 0 : i32
    %dma_wait3A_189 = tpu.memref_slice %arg4[%dma_wait3A_176, %dma_wait3A_187, %dma_wait3A_188] : memref<62500x16x64xf32, #tpu.memory_space<hbm>> -> memref<1x32x64xf32, #tpu.memory_space<hbm>>
    %dma_wait3A_190 = tpu.memref_squeeze %dma_wait3A_189 : memref<1x32x64xf32, #tpu.memory_space<hbm>> -> memref<32x64xf32, #tpu.memory_space<hbm>>
    tpu.wait_dma2 semaphore(%arg14 : memref<!tpu.dma_semaphore, #tpu.memory_space<semaphore_mem>>) src(%dma_wait3A_190 : memref<32x64xf32, #tpu.memory_space<hbm>>) dst(%dma_wait3A_186 : memref<32x64xf32, #tpu.memory_space<vmem>>)
    %dma_wait3A_191 = arith.constant 0 : i32
    %dma_wait3A_192 = arith.constant 0 : i32
    %dma_wait3A_193 = arith.constant 0 : i32
    %dma_wait3A_194 = tpu.memref_slice %arg10[%dma_wait3A_192, %dma_wait3A_193] : memref<128x64xf32, #tpu.memory_space<vmem>> -> memref<32x64xf32, #tpu.memory_space<vmem>>
    %dma_wait3A_195 = arith.constant 0 : i32
    %dma_wait3A_196 = arith.constant 0 : i32
    %dma_wait3A_197 = tpu.memref_slice %arg4[%dma_wait3A_191, %dma_wait3A_195, %dma_wait3A_196] : memref<62500x16x64xf32, #tpu.memory_space<hbm>> -> memref<1x32x64xf32, #tpu.memory_space<hbm>>
    %dma_wait3A_198 = tpu.memref_squeeze %dma_wait3A_197 : memref<1x32x64xf32, #tpu.memory_space<hbm>> -> memref<32x64xf32, #tpu.memory_space<hbm>>
    %dma_wait3A_199 = arith.constant 0 : i32
    %dma_wait3A_200 = arith.constant 0 : i32
    %dma_wait3A_201 = tpu.memref_slice %arg10[%dma_wait3A_199, %dma_wait3A_200] : memref<128x64xf32, #tpu.memory_space<vmem>> -> memref<32x64xf32, #tpu.memory_space<vmem>>
    %dma_wait3A_202 = arith.constant 0 : i32
    %dma_wait3A_203 = arith.constant 0 : i32
    %dma_wait3A_204 = tpu.memref_slice %arg4[%dma_wait3A_191, %dma_wait3A_202, %dma_wait3A_203] : memref<62500x16x64xf32, #tpu.memory_space<hbm>> -> memref<1x32x64xf32, #tpu.memory_space<hbm>>
    %dma_wait3A_205 = tpu.memref_squeeze %dma_wait3A_204 : memref<1x32x64xf32, #tpu.memory_space<hbm>> -> memref<32x64xf32, #tpu.memory_space<hbm>>
    tpu.wait_dma2 semaphore(%arg15 : memref<!tpu.dma_semaphore, #tpu.memory_space<semaphore_mem>>) src(%dma_wait3A_205 : memref<32x64xf32, #tpu.memory_space<hbm>>) dst(%dma_wait3A_201 : memref<32x64xf32, #tpu.memory_space<vmem>>)
    %dma_wait3A_206 = arith.constant 0 : i32
    %dma_wait3A_207 = arith.constant 0 : i32
    %dma_wait3A_208 = arith.constant 0 : i32
    %dma_wait3A_209 = tpu.memref_slice %arg10[%dma_wait3A_207, %dma_wait3A_208] : memref<128x64xf32, #tpu.memory_space<vmem>> -> memref<32x64xf32, #tpu.memory_space<vmem>>
    %dma_wait3A_210 = arith.constant 0 : i32
    %dma_wait3A_211 = arith.constant 0 : i32
    %dma_wait3A_212 = tpu.memref_slice %arg4[%dma_wait3A_206, %dma_wait3A_210, %dma_wait3A_211] : memref<62500x16x64xf32, #tpu.memory_space<hbm>> -> memref<1x32x64xf32, #tpu.memory_space<hbm>>
    %dma_wait3A_213 = tpu.memref_squeeze %dma_wait3A_212 : memref<1x32x64xf32, #tpu.memory_space<hbm>> -> memref<32x64xf32, #tpu.memory_space<hbm>>
    %dma_wait3A_214 = arith.constant 0 : i32
    %dma_wait3A_215 = arith.constant 0 : i32
    %dma_wait3A_216 = tpu.memref_slice %arg10[%dma_wait3A_214, %dma_wait3A_215] : memref<128x64xf32, #tpu.memory_space<vmem>> -> memref<32x64xf32, #tpu.memory_space<vmem>>
    %dma_wait3A_217 = arith.constant 0 : i32
    %dma_wait3A_218 = arith.constant 0 : i32
    %dma_wait3A_219 = tpu.memref_slice %arg4[%dma_wait3A_206, %dma_wait3A_217, %dma_wait3A_218] : memref<62500x16x64xf32, #tpu.memory_space<hbm>> -> memref<1x32x64xf32, #tpu.memory_space<hbm>>
    %dma_wait3A_220 = tpu.memref_squeeze %dma_wait3A_219 : memref<1x32x64xf32, #tpu.memory_space<hbm>> -> memref<32x64xf32, #tpu.memory_space<hbm>>
    tpu.wait_dma2 semaphore(%arg16 : memref<!tpu.dma_semaphore, #tpu.memory_space<semaphore_mem>>) src(%dma_wait3A_220 : memref<32x64xf32, #tpu.memory_space<hbm>>) dst(%dma_wait3A_216 : memref<32x64xf32, #tpu.memory_space<vmem>>)
    %scan3A_221 = arith.constant 0 : i32
    %scan3A_222 = arith.constant 128 : i32
    %scan3A_223 = arith.addi %scan3A_221, %scan3A_222 : i32
    %scan3A_224 = arith.constant 1 : i32
    scf.for %scan3A_295 = %scan3A_221 to %scan3A_223 step %scan3A_224  : i32 {
      %get3A = arith.index_cast %scan3A_295 : i32 to index
      %get3A_296 = arith.constant 0 : index
      %get3A_297 = tpu.vector_load %arg10[%get3A, %get3A_296] {strides = array<i32>} : memref<128x64xf32, #tpu.memory_space<vmem>>, vector<1x16xf32>,
      %get3A_298 = vector.shape_cast %get3A_297 : vector<1x16xf32> to vector<16xf32>
      %add3A_299 = arith.constant 256 : i32
      %add3A_300 = arith.addi %add3A_299, %scan3A_295 : i32
      %get3A_301 = arith.index_cast %add3A_300 : i32 to index
      %get3A_302 = arith.constant 0 : index
      %get3A_303 = tpu.vector_load %arg12[%get3A_301, %get3A_302] {strides = array<i32>} : memref<512x128xf32, #tpu.memory_space<vmem>>, vector<1x16xf32>,
      %get3A_304 = vector.shape_cast %get3A_303 : vector<1x16xf32> to vector<16xf32>
      %mul3A_305 = arith.mulf %get3A_298, %get3A_304 : vector<16xf32>
      %swap3A = arith.index_cast %scan3A_295 : i32 to index
      %swap3A_306 = arith.constant 0 : index
      %swap3A_307 = tpu.vector_load %arg10[%swap3A, %swap3A_306] {strides = array<i32>} : memref<128x64xf32, #tpu.memory_space<vmem>>, vector<1x16xf32>,
      %swap3A_308 = vector.shape_cast %swap3A_307 : vector<1x16xf32> to vector<16xf32>
      %swap3A_309 = vector.shape_cast %mul3A_305 : vector<16xf32> to vector<1x16xf32>
      tpu.vector_store %arg10[%swap3A, %swap3A_306], %swap3A_309 {strides = array<i32>} : memref<128x64xf32, #tpu.memory_space<vmem>>, vector<1x16xf32>,
      %get3A_310 = arith.index_cast %scan3A_295 : i32 to index
      %get3A_311 = arith.constant 16 : index
      %get3A_312 = tpu.vector_load %arg10[%get3A_310, %get3A_311] {strides = array<i32>} : memref<128x64xf32, #tpu.memory_space<vmem>>, vector<1x16xf32>,
      %get3A_313 = vector.shape_cast %get3A_312 : vector<1x16xf32> to vector<16xf32>
      %add3A_314 = arith.constant 256 : i32
      %add3A_315 = arith.addi %add3A_314, %scan3A_295 : i32
      %get3A_316 = arith.index_cast %add3A_315 : i32 to index
      %get3A_317 = arith.constant 16 : index
      %get3A_318 = tpu.vector_load %arg12[%get3A_316, %get3A_317] {strides = array<i32>} : memref<512x128xf32, #tpu.memory_space<vmem>>, vector<1x16xf32>,
      %get3A_319 = vector.shape_cast %get3A_318 : vector<1x16xf32> to vector<16xf32>
      %mul3A_320 = arith.mulf %get3A_313, %get3A_319 : vector<16xf32>
      %swap3A_321 = arith.index_cast %scan3A_295 : i32 to index
      %swap3A_322 = arith.constant 16 : index
      %swap3A_323 = tpu.vector_load %arg10[%swap3A_321, %swap3A_322] {strides = array<i32>} : memref<128x64xf32, #tpu.memory_space<vmem>>, vector<1x16xf32>,
      %swap3A_324 = vector.shape_cast %swap3A_323 : vector<1x16xf32> to vector<16xf32>
      %swap3A_325 = vector.shape_cast %mul3A_320 : vector<16xf32> to vector<1x16xf32>
      tpu.vector_store %arg10[%swap3A_321, %swap3A_322], %swap3A_325 {strides = array<i32>} : memref<128x64xf32, #tpu.memory_space<vmem>>, vector<1x16xf32>,
      %get3A_326 = arith.index_cast %scan3A_295 : i32 to index
      %get3A_327 = arith.constant 32 : index
      %get3A_328 = tpu.vector_load %arg10[%get3A_326, %get3A_327] {strides = array<i32>} : memref<128x64xf32, #tpu.memory_space<vmem>>, vector<1x16xf32>,
      %get3A_329 = vector.shape_cast %get3A_328 : vector<1x16xf32> to vector<16xf32>
      %add3A_330 = arith.constant 256 : i32
      %add3A_331 = arith.addi %add3A_330, %scan3A_295 : i32
      %get3A_332 = arith.index_cast %add3A_331 : i32 to index
      %get3A_333 = arith.constant 32 : index
      %get3A_334 = tpu.vector_load %arg12[%get3A_332, %get3A_333] {strides = array<i32>} : memref<512x128xf32, #tpu.memory_space<vmem>>, vector<1x16xf32>,
      %get3A_335 = vector.shape_cast %get3A_334 : vector<1x16xf32> to vector<16xf32>
      %mul3A_336 = arith.mulf %get3A_329, %get3A_335 : vector<16xf32>
      %swap3A_337 = arith.index_cast %scan3A_295 : i32 to index
      %swap3A_338 = arith.constant 32 : index
      %swap3A_339 = tpu.vector_load %arg10[%swap3A_337, %swap3A_338] {strides = array<i32>} : memref<128x64xf32, #tpu.memory_space<vmem>>, vector<1x16xf32>,
      %swap3A_340 = vector.shape_cast %swap3A_339 : vector<1x16xf32> to vector<16xf32>
      %swap3A_341 = vector.shape_cast %mul3A_336 : vector<16xf32> to vector<1x16xf32>
      tpu.vector_store %arg10[%swap3A_337, %swap3A_338], %swap3A_341 {strides = array<i32>} : memref<128x64xf32, #tpu.memory_space<vmem>>, vector<1x16xf32>,
      %get3A_342 = arith.index_cast %scan3A_295 : i32 to index
      %get3A_343 = arith.constant 48 : index
      %get3A_344 = tpu.vector_load %arg10[%get3A_342, %get3A_343] {strides = array<i32>} : memref<128x64xf32, #tpu.memory_space<vmem>>, vector<1x16xf32>,
      %get3A_345 = vector.shape_cast %get3A_344 : vector<1x16xf32> to vector<16xf32>
      %add3A_346 = arith.constant 256 : i32
      %add3A_347 = arith.addi %add3A_346, %scan3A_295 : i32
      %get3A_348 = arith.index_cast %add3A_347 : i32 to index
      %get3A_349 = arith.constant 48 : index
      %get3A_350 = tpu.vector_load %arg12[%get3A_348, %get3A_349] {strides = array<i32>} : memref<512x128xf32, #tpu.memory_space<vmem>>, vector<1x16xf32>,
      %get3A_351 = vector.shape_cast %get3A_350 : vector<1x16xf32> to vector<16xf32>
      %mul3A_352 = arith.mulf %get3A_345, %get3A_351 : vector<16xf32>
      %swap3A_353 = arith.index_cast %scan3A_295 : i32 to index
      %swap3A_354 = arith.constant 48 : index
      %swap3A_355 = tpu.vector_load %arg10[%swap3A_353, %swap3A_354] {strides = array<i32>} : memref<128x64xf32, #tpu.memory_space<vmem>>, vector<1x16xf32>,
      %swap3A_356 = vector.shape_cast %swap3A_355 : vector<1x16xf32> to vector<16xf32>
      %swap3A_357 = vector.shape_cast %mul3A_352 : vector<16xf32> to vector<1x16xf32>
      tpu.vector_store %arg10[%swap3A_353, %swap3A_354], %swap3A_357 {strides = array<i32>} : memref<128x64xf32, #tpu.memory_space<vmem>>, vector<1x16xf32>,
    }
    %scan3A_225 = arith.constant 128 : i32
    %add3A_226 = arith.constant 256 : i32
    %add3A_227 = arith.addi %mul3A_2, %add3A_226 : i32
    "tpu.region"() ({
      %run_scoped3A_295 = tpu.sem_alloc : memref<!tpu.dma_semaphore, #tpu.memory_space<semaphore_mem>>
      %dma_start3A_296 = arith.constant 0 : i32
      %dma_start3A_297 = tpu.memref_slice %arg6[%add3A_227, %dma_start3A_296] : memref<16384x64xf32, #tpu.memory_space<hbm>> -> memref<128x64xf32, #tpu.memory_space<hbm>>
      %dma_start3A_298 = arith.constant 0 : i32
      %dma_start3A_299 = tpu.memref_slice %arg6[%add3A_227, %dma_start3A_298] : memref<16384x64xf32, #tpu.memory_space<hbm>> -> memref<128x64xf32, #tpu.memory_space<hbm>>
      tpu.enqueue_dma source(%arg10 : memref<128x64xf32, #tpu.memory_space<vmem>>) target(%dma_start3A_299 : memref<128x64xf32, #tpu.memory_space<hbm>>) target_semaphore(%run_scoped3A_295 : memref<!tpu.dma_semaphore, #tpu.memory_space<semaphore_mem>>)
      %dma_wait3A_300 = arith.constant 0 : i32
      %dma_wait3A_301 = tpu.memref_slice %arg6[%add3A_227, %dma_wait3A_300] : memref<16384x64xf32, #tpu.memory_space<hbm>> -> memref<128x64xf32, #tpu.memory_space<hbm>>
      %dma_wait3A_302 = arith.constant 0 : i32
      %dma_wait3A_303 = tpu.memref_slice %arg6[%add3A_227, %dma_wait3A_302] : memref<16384x64xf32, #tpu.memory_space<hbm>> -> memref<128x64xf32, #tpu.memory_space<hbm>>
      tpu.wait_dma2 semaphore(%run_scoped3A_295 : memref<!tpu.dma_semaphore, #tpu.memory_space<semaphore_mem>>) src(%arg10 : memref<128x64xf32, #tpu.memory_space<vmem>>) dst(%dma_wait3A_303 : memref<128x64xf32, #tpu.memory_space<hbm>>)
      tpu.yield
    }) : () -> ()
    %dma_wait3A_228 = arith.constant 0 : i32
    %dma_wait3A_229 = arith.constant 0 : i32
    %dma_wait3A_230 = arith.constant 0 : i32
    %dma_wait3A_231 = tpu.memref_slice %arg11[%dma_wait3A_229, %dma_wait3A_230] : memref<128x64xf32, #tpu.memory_space<vmem>> -> memref<32x64xf32, #tpu.memory_space<vmem>>
    %dma_wait3A_232 = arith.constant 0 : i32
    %dma_wait3A_233 = arith.constant 0 : i32
    %dma_wait3A_234 = tpu.memref_slice %arg4[%dma_wait3A_228, %dma_wait3A_232, %dma_wait3A_233] : memref<62500x16x64xf32, #tpu.memory_space<hbm>> -> memref<1x32x64xf32, #tpu.memory_space<hbm>>
    %dma_wait3A_235 = tpu.memref_squeeze %dma_wait3A_234 : memref<1x32x64xf32, #tpu.memory_space<hbm>> -> memref<32x64xf32, #tpu.memory_space<hbm>>
    %dma_wait3A_236 = arith.constant 0 : i32
    %dma_wait3A_237 = arith.constant 0 : i32
    %dma_wait3A_238 = tpu.memref_slice %arg11[%dma_wait3A_236, %dma_wait3A_237] : memref<128x64xf32, #tpu.memory_space<vmem>> -> memref<32x64xf32, #tpu.memory_space<vmem>>
    %dma_wait3A_239 = arith.constant 0 : i32
    %dma_wait3A_240 = arith.constant 0 : i32
    %dma_wait3A_241 = tpu.memref_slice %arg4[%dma_wait3A_228, %dma_wait3A_239, %dma_wait3A_240] : memref<62500x16x64xf32, #tpu.memory_space<hbm>> -> memref<1x32x64xf32, #tpu.memory_space<hbm>>
    %dma_wait3A_242 = tpu.memref_squeeze %dma_wait3A_241 : memref<1x32x64xf32, #tpu.memory_space<hbm>> -> memref<32x64xf32, #tpu.memory_space<hbm>>
    tpu.wait_dma2 semaphore(%arg17 : memref<!tpu.dma_semaphore, #tpu.memory_space<semaphore_mem>>) src(%dma_wait3A_242 : memref<32x64xf32, #tpu.memory_space<hbm>>) dst(%dma_wait3A_238 : memref<32x64xf32, #tpu.memory_space<vmem>>)
    %dma_wait3A_243 = arith.constant 0 : i32
    %dma_wait3A_244 = arith.constant 0 : i32
    %dma_wait3A_245 = arith.constant 0 : i32
    %dma_wait3A_246 = tpu.memref_slice %arg11[%dma_wait3A_244, %dma_wait3A_245] : memref<128x64xf32, #tpu.memory_space<vmem>> -> memref<32x64xf32, #tpu.memory_space<vmem>>
    %dma_wait3A_247 = arith.constant 0 : i32
    %dma_wait3A_248 = arith.constant 0 : i32
    %dma_wait3A_249 = tpu.memref_slice %arg4[%dma_wait3A_243, %dma_wait3A_247, %dma_wait3A_248] : memref<62500x16x64xf32, #tpu.memory_space<hbm>> -> memref<1x32x64xf32, #tpu.memory_space<hbm>>
    %dma_wait3A_250 = tpu.memref_squeeze %dma_wait3A_249 : memref<1x32x64xf32, #tpu.memory_space<hbm>> -> memref<32x64xf32, #tpu.memory_space<hbm>>
    %dma_wait3A_251 = arith.constant 0 : i32
    %dma_wait3A_252 = arith.constant 0 : i32
    %dma_wait3A_253 = tpu.memref_slice %arg11[%dma_wait3A_251, %dma_wait3A_252] : memref<128x64xf32, #tpu.memory_space<vmem>> -> memref<32x64xf32, #tpu.memory_space<vmem>>
    %dma_wait3A_254 = arith.constant 0 : i32
    %dma_wait3A_255 = arith.constant 0 : i32
    %dma_wait3A_256 = tpu.memref_slice %arg4[%dma_wait3A_243, %dma_wait3A_254, %dma_wait3A_255] : memref<62500x16x64xf32, #tpu.memory_space<hbm>> -> memref<1x32x64xf32, #tpu.memory_space<hbm>>
    %dma_wait3A_257 = tpu.memref_squeeze %dma_wait3A_256 : memref<1x32x64xf32, #tpu.memory_space<hbm>> -> memref<32x64xf32, #tpu.memory_space<hbm>>
    tpu.wait_dma2 semaphore(%arg18 : memref<!tpu.dma_semaphore, #tpu.memory_space<semaphore_mem>>) src(%dma_wait3A_257 : memref<32x64xf32, #tpu.memory_space<hbm>>) dst(%dma_wait3A_253 : memref<32x64xf32, #tpu.memory_space<vmem>>)
    %dma_wait3A_258 = arith.constant 0 : i32
    %dma_wait3A_259 = arith.constant 0 : i32
    %dma_wait3A_260 = arith.constant 0 : i32
    %dma_wait3A_261 = tpu.memref_slice %arg11[%dma_wait3A_259, %dma_wait3A_260] : memref<128x64xf32, #tpu.memory_space<vmem>> -> memref<32x64xf32, #tpu.memory_space<vmem>>
    %dma_wait3A_262 = arith.constant 0 : i32
    %dma_wait3A_263 = arith.constant 0 : i32
    %dma_wait3A_264 = tpu.memref_slice %arg4[%dma_wait3A_258, %dma_wait3A_262, %dma_wait3A_263] : memref<62500x16x64xf32, #tpu.memory_space<hbm>> -> memref<1x32x64xf32, #tpu.memory_space<hbm>>
    %dma_wait3A_265 = tpu.memref_squeeze %dma_wait3A_264 : memref<1x32x64xf32, #tpu.memory_space<hbm>> -> memref<32x64xf32, #tpu.memory_space<hbm>>
    %dma_wait3A_266 = arith.constant 0 : i32
    %dma_wait3A_267 = arith.constant 0 : i32
    %dma_wait3A_268 = tpu.memref_slice %arg11[%dma_wait3A_266, %dma_wait3A_267] : memref<128x64xf32, #tpu.memory_space<vmem>> -> memref<32x64xf32, #tpu.memory_space<vmem>>
    %dma_wait3A_269 = arith.constant 0 : i32
    %dma_wait3A_270 = arith.constant 0 : i32
    %dma_wait3A_271 = tpu.memref_slice %arg4[%dma_wait3A_258, %dma_wait3A_269, %dma_wait3A_270] : memref<62500x16x64xf32, #tpu.memory_space<hbm>> -> memref<1x32x64xf32, #tpu.memory_space<hbm>>
    %dma_wait3A_272 = tpu.memref_squeeze %dma_wait3A_271 : memref<1x32x64xf32, #tpu.memory_space<hbm>> -> memref<32x64xf32, #tpu.memory_space<hbm>>
    tpu.wait_dma2 semaphore(%arg19 : memref<!tpu.dma_semaphore, #tpu.memory_space<semaphore_mem>>) src(%dma_wait3A_272 : memref<32x64xf32, #tpu.memory_space<hbm>>) dst(%dma_wait3A_268 : memref<32x64xf32, #tpu.memory_space<vmem>>)
    %dma_wait3A_273 = arith.constant 0 : i32
    %dma_wait3A_274 = arith.constant 0 : i32
    %dma_wait3A_275 = arith.constant 0 : i32
    %dma_wait3A_276 = tpu.memref_slice %arg11[%dma_wait3A_274, %dma_wait3A_275] : memref<128x64xf32, #tpu.memory_space<vmem>> -> memref<32x64xf32, #tpu.memory_space<vmem>>
    %dma_wait3A_277 = arith.constant 0 : i32
    %dma_wait3A_278 = arith.constant 0 : i32
    %dma_wait3A_279 = tpu.memref_slice %arg4[%dma_wait3A_273, %dma_wait3A_277, %dma_wait3A_278] : memref<62500x16x64xf32, #tpu.memory_space<hbm>> -> memref<1x32x64xf32, #tpu.memory_space<hbm>>
    %dma_wait3A_280 = tpu.memref_squeeze %dma_wait3A_279 : memref<1x32x64xf32, #tpu.memory_space<hbm>> -> memref<32x64xf32, #tpu.memory_space<hbm>>
    %dma_wait3A_281 = arith.constant 0 : i32
    %dma_wait3A_282 = arith.constant 0 : i32
    %dma_wait3A_283 = tpu.memref_slice %arg11[%dma_wait3A_281, %dma_wait3A_282] : memref<128x64xf32, #tpu.memory_space<vmem>> -> memref<32x64xf32, #tpu.memory_space<vmem>>
    %dma_wait3A_284 = arith.constant 0 : i32
    %dma_wait3A_285 = arith.constant 0 : i32
    %dma_wait3A_286 = tpu.memref_slice %arg4[%dma_wait3A_273, %dma_wait3A_284, %dma_wait3A_285] : memref<62500x16x64xf32, #tpu.memory_space<hbm>> -> memref<1x32x64xf32, #tpu.memory_space<hbm>>
    %dma_wait3A_287 = tpu.memref_squeeze %dma_wait3A_286 : memref<1x32x64xf32, #tpu.memory_space<hbm>> -> memref<32x64xf32, #tpu.memory_space<hbm>>
    tpu.wait_dma2 semaphore(%arg20 : memref<!tpu.dma_semaphore, #tpu.memory_space<semaphore_mem>>) src(%dma_wait3A_287 : memref<32x64xf32, #tpu.memory_space<hbm>>) dst(%dma_wait3A_283 : memref<32x64xf32, #tpu.memory_space<vmem>>)
    %scan3A_288 = arith.constant 0 : i32
    %scan3A_289 = arith.constant 128 : i32
    %scan3A_290 = arith.addi %scan3A_288, %scan3A_289 : i32
    %scan3A_291 = arith.constant 1 : i32
    scf.for %scan3A_295 = %scan3A_288 to %scan3A_290 step %scan3A_291  : i32 {
      %get3A = arith.index_cast %scan3A_295 : i32 to index
      %get3A_296 = arith.constant 0 : index
      %get3A_297 = tpu.vector_load %arg11[%get3A, %get3A_296] {strides = array<i32>} : memref<128x64xf32, #tpu.memory_space<vmem>>, vector<1x16xf32>,
      %get3A_298 = vector.shape_cast %get3A_297 : vector<1x16xf32> to vector<16xf32>
      %add3A_299 = arith.constant 384 : i32
      %add3A_300 = arith.addi %add3A_299, %scan3A_295 : i32
      %get3A_301 = arith.index_cast %add3A_300 : i32 to index
      %get3A_302 = arith.constant 0 : index
      %get3A_303 = tpu.vector_load %arg12[%get3A_301, %get3A_302] {strides = array<i32>} : memref<512x128xf32, #tpu.memory_space<vmem>>, vector<1x16xf32>,
      %get3A_304 = vector.shape_cast %get3A_303 : vector<1x16xf32> to vector<16xf32>
      %mul3A_305 = arith.mulf %get3A_298, %get3A_304 : vector<16xf32>
      %swap3A = arith.index_cast %scan3A_295 : i32 to index
      %swap3A_306 = arith.constant 0 : index
      %swap3A_307 = tpu.vector_load %arg11[%swap3A, %swap3A_306] {strides = array<i32>} : memref<128x64xf32, #tpu.memory_space<vmem>>, vector<1x16xf32>,
      %swap3A_308 = vector.shape_cast %swap3A_307 : vector<1x16xf32> to vector<16xf32>
      %swap3A_309 = vector.shape_cast %mul3A_305 : vector<16xf32> to vector<1x16xf32>
      tpu.vector_store %arg11[%swap3A, %swap3A_306], %swap3A_309 {strides = array<i32>} : memref<128x64xf32, #tpu.memory_space<vmem>>, vector<1x16xf32>,
      %get3A_310 = arith.index_cast %scan3A_295 : i32 to index
      %get3A_311 = arith.constant 16 : index
      %get3A_312 = tpu.vector_load %arg11[%get3A_310, %get3A_311] {strides = array<i32>} : memref<128x64xf32, #tpu.memory_space<vmem>>, vector<1x16xf32>,
      %get3A_313 = vector.shape_cast %get3A_312 : vector<1x16xf32> to vector<16xf32>
      %add3A_314 = arith.constant 384 : i32
      %add3A_315 = arith.addi %add3A_314, %scan3A_295 : i32
      %get3A_316 = arith.index_cast %add3A_315 : i32 to index
      %get3A_317 = arith.constant 16 : index
      %get3A_318 = tpu.vector_load %arg12[%get3A_316, %get3A_317] {strides = array<i32>} : memref<512x128xf32, #tpu.memory_space<vmem>>, vector<1x16xf32>,
      %get3A_319 = vector.shape_cast %get3A_318 : vector<1x16xf32> to vector<16xf32>
      %mul3A_320 = arith.mulf %get3A_313, %get3A_319 : vector<16xf32>
      %swap3A_321 = arith.index_cast %scan3A_295 : i32 to index
      %swap3A_322 = arith.constant 16 : index
      %swap3A_323 = tpu.vector_load %arg11[%swap3A_321, %swap3A_322] {strides = array<i32>} : memref<128x64xf32, #tpu.memory_space<vmem>>, vector<1x16xf32>,
      %swap3A_324 = vector.shape_cast %swap3A_323 : vector<1x16xf32> to vector<16xf32>
      %swap3A_325 = vector.shape_cast %mul3A_320 : vector<16xf32> to vector<1x16xf32>
      tpu.vector_store %arg11[%swap3A_321, %swap3A_322], %swap3A_325 {strides = array<i32>} : memref<128x64xf32, #tpu.memory_space<vmem>>, vector<1x16xf32>,
      %get3A_326 = arith.index_cast %scan3A_295 : i32 to index
      %get3A_327 = arith.constant 32 : index
      %get3A_328 = tpu.vector_load %arg11[%get3A_326, %get3A_327] {strides = array<i32>} : memref<128x64xf32, #tpu.memory_space<vmem>>, vector<1x16xf32>,
      %get3A_329 = vector.shape_cast %get3A_328 : vector<1x16xf32> to vector<16xf32>
      %add3A_330 = arith.constant 384 : i32
      %add3A_331 = arith.addi %add3A_330, %scan3A_295 : i32
      %get3A_332 = arith.index_cast %add3A_331 : i32 to index
      %get3A_333 = arith.constant 32 : index
      %get3A_334 = tpu.vector_load %arg12[%get3A_332, %get3A_333] {strides = array<i32>} : memref<512x128xf32, #tpu.memory_space<vmem>>, vector<1x16xf32>,
      %get3A_335 = vector.shape_cast %get3A_334 : vector<1x16xf32> to vector<16xf32>
      %mul3A_336 = arith.mulf %get3A_329, %get3A_335 : vector<16xf32>
      %swap3A_337 = arith.index_cast %scan3A_295 : i32 to index
      %swap3A_338 = arith.constant 32 : index
      %swap3A_339 = tpu.vector_load %arg11[%swap3A_337, %swap3A_338] {strides = array<i32>} : memref<128x64xf32, #tpu.memory_space<vmem>>, vector<1x16xf32>,
      %swap3A_340 = vector.shape_cast %swap3A_339 : vector<1x16xf32> to vector<16xf32>
      %swap3A_341 = vector.shape_cast %mul3A_336 : vector<16xf32> to vector<1x16xf32>
      tpu.vector_store %arg11[%swap3A_337, %swap3A_338], %swap3A_341 {strides = array<i32>} : memref<128x64xf32, #tpu.memory_space<vmem>>, vector<1x16xf32>,
      %get3A_342 = arith.index_cast %scan3A_295 : i32 to index
      %get3A_343 = arith.constant 48 : index
      %get3A_344 = tpu.vector_load %arg11[%get3A_342, %get3A_343] {strides = array<i32>} : memref<128x64xf32, #tpu.memory_space<vmem>>, vector<1x16xf32>,
      %get3A_345 = vector.shape_cast %get3A_344 : vector<1x16xf32> to vector<16xf32>
      %add3A_346 = arith.constant 384 : i32
      %add3A_347 = arith.addi %add3A_346, %scan3A_295 : i32
      %get3A_348 = arith.index_cast %add3A_347 : i32 to index
      %get3A_349 = arith.constant 48 : index
      %get3A_350 = tpu.vector_load %arg12[%get3A_348, %get3A_349] {strides = array<i32>} : memref<512x128xf32, #tpu.memory_space<vmem>>, vector<1x16xf32>,
      %get3A_351 = vector.shape_cast %get3A_350 : vector<1x16xf32> to vector<16xf32>
      %mul3A_352 = arith.mulf %get3A_345, %get3A_351 : vector<16xf32>
      %swap3A_353 = arith.index_cast %scan3A_295 : i32 to index
      %swap3A_354 = arith.constant 48 : index
      %swap3A_355 = tpu.vector_load %arg11[%swap3A_353, %swap3A_354] {strides = array<i32>} : memref<128x64xf32, #tpu.memory_space<vmem>>, vector<1x16xf32>,
      %swap3A_356 = vector.shape_cast %swap3A_355 : vector<1x16xf32> to vector<16xf32>
      %swap3A_357 = vector.shape_cast %mul3A_352 : vector<16xf32> to vector<1x16xf32>
      tpu.vector_store %arg11[%swap3A_353, %swap3A_354], %swap3A_357 {strides = array<i32>} : memref<128x64xf32, #tpu.memory_space<vmem>>, vector<1x16xf32>,
    }
    %scan3A_292 = arith.constant 128 : i32
    %add3A_293 = arith.constant 384 : i32
    %add3A_294 = arith.addi %mul3A_2, %add3A_293 : i32
    "tpu.region"() ({
      %run_scoped3A_295 = tpu.sem_alloc : memref<!tpu.dma_semaphore, #tpu.memory_space<semaphore_mem>>
      %dma_start3A_296 = arith.constant 0 : i32
      %dma_start3A_297 = tpu.memref_slice %arg6[%add3A_294, %dma_start3A_296] : memref<16384x64xf32, #tpu.memory_space<hbm>> -> memref<128x64xf32, #tpu.memory_space<hbm>>
      %dma_start3A_298 = arith.constant 0 : i32
      %dma_start3A_299 = tpu.memref_slice %arg6[%add3A_294, %dma_start3A_298] : memref<16384x64xf32, #tpu.memory_space<hbm>> -> memref<128x64xf32, #tpu.memory_space<hbm>>
      tpu.enqueue_dma source(%arg11 : memref<128x64xf32, #tpu.memory_space<vmem>>) target(%dma_start3A_299 : memref<128x64xf32, #tpu.memory_space<hbm>>) target_semaphore(%run_scoped3A_295 : memref<!tpu.dma_semaphore, #tpu.memory_space<semaphore_mem>>)
      %dma_wait3A_300 = arith.constant 0 : i32
      %dma_wait3A_301 = tpu.memref_slice %arg6[%add3A_294, %dma_wait3A_300] : memref<16384x64xf32, #tpu.memory_space<hbm>> -> memref<128x64xf32, #tpu.memory_space<hbm>>
      %dma_wait3A_302 = arith.constant 0 : i32
      %dma_wait3A_303 = tpu.memref_slice %arg6[%add3A_294, %dma_wait3A_302] : memref<16384x64xf32, #tpu.memory_space<hbm>> -> memref<128x64xf32, #tpu.memory_space<hbm>>
      tpu.wait_dma2 semaphore(%run_scoped3A_295 : memref<!tpu.dma_semaphore, #tpu.memory_space<semaphore_mem>>) src(%arg11 : memref<128x64xf32, #tpu.memory_space<vmem>>) dst(%dma_wait3A_303 : memref<128x64xf32, #tpu.memory_space<hbm>>)
      tpu.yield
    }) : () -> ()
    return
  }
}

</mosaic_0001>

<sc_bundles>
// kernel: kernel.3.cloned.1.call-start
scs
__scs_entry_jumppad:
0x0: {  	(pc) =	sbr.rel $0x88, $3  }
0x1: {  	(tag) =	ssettag $0x0;
	lr =	simm.s32 $0x1  }
0x2: {  	[smem:$0x3F9D] =	sst lr;
	_ =	strace $0xD0000000  }
0x3: {  	_ = 	snop  }
0x4: {  	_ = 	snop  }
0x5: {  	_ = 	snop  }
0x6: {  	_ = 	snop  }
0x7: {  	_ = 	snop  }
__scs_overlays_trampoline_lowered:
0x8: {  	[smem:$0x3FAC] =	sst s0  }
0x9: {  	[smem:$0x3FAD] =	sst s1  }
0xa: {  	[smem:$0x3FAE] =	sst s2  }
0xb: {  	[smem:$0x3FAF] =	sst s3  }
0xc: {  	[smem:$0x3FB0] =	sst s4  }
0xd: {  	[smem:$0x3FB1] =	sst s5  }
0xe: {  	[smem:$0x3FB2] =	sst s6  }
0xf: {  	[smem:$0x3FB3] =	sst s7  }
0x10: {  	[smem:$0x3FB4] =	sst s8  }
0x11: {  	[smem:$0x3FB5] =	sst s9;
	s0 =	simm.s32 @!p0 $0x0  }
0x12: {  	s1 =	sld [smem:$0x3F9B];
	s0 =	simm.s32 @p0 $0x1  }
0x13: {  	[smem:$0x3FB6] =	sst s0;
	s0 =	simm.s32 @!p1 $0x0  }
0x14: {  	s2 =	sld [smem:$0x3F9A];
	s0 =	simm.s32 @p1 $0x1  }
0x15: {  	[smem:$0x3FB7] =	sst s0;
	s0 =	simm.s32 @!p2 $0x0  }
0x16: {  	s3 =	sld [smem:$0x3FDB];
	s0 =	simm.s32 @p2 $0x1  }
0x17: {  	s4 =	simm.s32 $0x1BF5;
	[smem:$0x3FB9] =	sst s0  }
0x18: {  	s0 =	sld [smem:$0x3F9C];
	_ =	swait.ge [sflag:s4], $0x0  }
0x19: {  	s7 =	sld [smem:$0x3F9D]  }
0x1a: {  	s8 =	sadd.s32 $0xFFFFE003, lr  }
0x1b: {  	s9 =	sadd.s32 $0xFFFFFEF7, lr;
	s5 =	simm.s32 $0xFFFFFFFF;
	p2 =	slt.u32 s8, $0xFFFFF086  }
0x1c: {  	p1 =	slt.u32 s9, $0xF7A;
	s5 =	simm.s32 @!p2 $0x0  }
0x1d: {  	s5 =	simm.s32 @p1 $0x1;
	p0 =	seq.s32 s7, s2  }
0x1e: {  	s7 =	smul.u32 @!p0 $0xF7A, s2;
	p2 =	seq.s32 @!p0 s5, $0x0  }
0x1f: {  	s9 =	smul.u32 $0xF7A, s1;
	s8 =	simm.s32 @!p0 $0x1BF5;
	p2 =	por !p2, p0  }
0x20: {  	[sflag:s8] =	ssyncset.s32 @!p0 $0xFFFFF086;
	s6 =	sadd.s32 @!p0 s3, s7;
	s7 =	simm.s32 @!p0 $0x108  }
0x21: {  	s3 =	sadd.s32 s3, s9;
	s6 =	sadd.s32 @!p0 $0x88, s6;
	s7 =	simm.s32 @p2 $0x1082  }
0x22: {  	[simem:s7], [sflag:s8] =	dma.local @!p0 [hbm:s6], $0xF7A  }
0x23: {  	s9 =	sor.u32 $0xD0000000, s2;
	s6 =	simm.s32 $0x108;
	_ =	swait.ge @!p0 [sflag:s8], $0x0  }
0x24: {  	s3 =	sadd.s32 $0x88, s3;
	s6 =	simm.s32 @!p1 $0x1082;
	[sflag:s4] =	ssyncset.s32 $0xFFFFF086  }
0x25: {  	[simem:s6], [sflag:s4] =	dma.local [hbm:s3], $0xF7A  }
0x26: {  	[smem:$0x3F9D] =	sst s1;
	(tag) =	ssettag s2;
	_ =	strace s9  }
0x27: {  	s1 =	sld [smem:$0x3FAD]  }
0x28: {  	s2 =	sld [smem:$0x3FAE]  }
0x29: {  	s4 =	sld [smem:$0x3FB0]  }
0x2a: {  	p0 =	seq.s32 s5, $0x0;
	s5 =	sld [smem:$0x3FB1]  }
0x2b: {  	s6 =	sld [smem:$0x3FB2]  }
0x2c: {  	s7 =	sld [smem:$0x3FB3]  }
0x2d: {  	s3 =	simm.s32 $0x108;
	s8 =	sld [smem:$0x3FB4]  }
0x2e: {  	s3 =	simm.s32 @!p0 $0x1082;
	s9 =	sld [smem:$0x3FB5]  }
0x2f: {  	lr =	sadd.s32 s0, s3;
	s0 =	sld [smem:$0x3FAC]  }
0x30: {  	s3 =	sld [smem:$0x3FAF]  }
0x31: {  	[smem:$0x3FB8] =	sst s10  }
0x32: {  	s10 =	sld [smem:$0x3FB6];
	_ =	sdelay $0x3  }
0x33: {  	p0 =	seq.s32 s10, $0x1;
	s10 =	sld [smem:$0x3FB8];
	_ =	sdelay $0x3  }
0x34: {  	[smem:$0x3FB8] =	sst s10  }
0x35: {  	s10 =	sld [smem:$0x3FB7];
	_ =	sdelay $0x3  }
0x36: {  	p1 =	seq.s32 s10, $0x1;
	s10 =	sld [smem:$0x3FB8];
	_ =	sdelay $0x3  }
0x37: {  	[smem:$0x3FB8] =	sst s10  }
0x38: {  	s10 =	sld [smem:$0x3FB9]  }
0x39: {  	_ = 	snop;
	(pc) =	sbr.ind lr, $3  }
0x3a: {  	_ = 	snop  }
0x3b: {  	_ = 	snop  }
0x3c: {  	p2 =	seq.s32 s10, $0x1;
	s10 =	sld [smem:$0x3FB8]  }
0x3d: {  	_ =	shalt  }
0x3e: {  	_ =	shalt  }
0x3f: {  	_ =	shalt  }
0x40: {  	_ =	shalt  }
0x41: {  	_ =	shalt  }
0x42: {  	_ =	shalt  }
0x43: {  	_ =	shalt  }
0x44: {  	_ =	shalt  }
0x45: {  	_ =	shalt  }
0x46: {  	_ =	shalt  }
0x47: {  	_ =	shalt  }
0x48: {  	_ =	shalt  }
0x49: {  	_ =	shalt  }
0x4a: {  	_ =	shalt  }
0x4b: {  	_ =	shalt  }
0x4c: {  	_ =	shalt  }
0x4d: {  	_ =	shalt  }
0x4e: {  	_ =	shalt  }
0x4f: {  	_ =	shalt  }
0x50: {  	_ =	shalt  }
0x51: {  	_ =	shalt  }
0x52: {  	_ =	shalt  }
0x53: {  	_ =	shalt  }
0x54: {  	_ =	shalt  }
0x55: {  	_ =	shalt  }
0x56: {  	_ =	shalt  }
0x57: {  	_ =	shalt  }
0x58: {  	_ =	shalt  }
0x59: {  	_ =	shalt  }
0x5a: {  	_ =	shalt  }
0x5b: {  	_ =	shalt  }
0x5c: {  	_ =	shalt  }
0x5d: {  	_ =	shalt  }
0x5e: {  	_ =	shalt  }
0x5f: {  	_ =	shalt  }
0x60: {  	_ =	shalt  }
0x61: {  	_ =	shalt  }
0x62: {  	_ =	shalt  }
0x63: {  	_ =	shalt  }
0x64: {  	_ =	shalt  }
0x65: {  	_ =	shalt  }
0x66: {  	_ =	shalt  }
0x67: {  	_ =	shalt  }
0x68: {  	_ =	shalt  }
0x69: {  	_ =	shalt  }
0x6a: {  	_ =	shalt  }
0x6b: {  	_ =	shalt  }
0x6c: {  	_ =	shalt  }
0x6d: {  	_ =	shalt  }
0x6e: {  	_ =	shalt  }
0x6f: {  	_ =	shalt  }
0x70: {  	_ =	shalt  }
0x71: {  	_ =	shalt  }
0x72: {  	_ =	shalt  }
0x73: {  	_ =	shalt  }
0x74: {  	_ =	shalt  }
0x75: {  	_ =	shalt  }
0x76: {  	_ =	shalt  }
0x77: {  	_ =	shalt  }
0x78: {  	_ =	shalt  }
0x79: {  	_ =	shalt  }
0x7a: {  	_ =	shalt  }
0x7b: {  	_ =	shalt  }
0x7c: {  	_ =	shalt  }
0x7d: {  	_ =	shalt  }
0x7e: {  	_ =	shalt  }
0x7f: {  	_ =	shalt  }
0x80: {  	_ =	shalt  }
0x81: {  	_ =	shalt  }
0x82: {  	_ =	shalt  }
0x83: {  	_ =	shalt  }
0x84: {  	_ =	shalt  }
0x85: {  	_ =	shalt  }
0x86: {  	_ =	shalt  }
0x87: {  	_ =	shalt  }
.Lfunc_end0:
.L_simem_size_0:
called_computation_lowered:
.L_overlay_start_0:
0x88: {  	s2 =	sld [smem:$0x3FD9]  }
0x89: {  	s3 =	sld [smem:$0x3FFE];
	_ =	sdelay $0x1  }
0x8a: {  	s1 =	srdreg.scid  }
0x8b: {  	s0 =	sand.u32 $0x1, s1  }
0x8c: {  	s17 =	sshll.u32 s0, $0xA;
	s2 =	sadd.s32 s3, s2  }
0x8d: {  	s2 =	sadd.s32 s2, s17  }
0x8e: {  	[smem:$0x3FC4] =	sst s2  }
0x8f: {  	_ = 	snop  }
0x90: {  	s2 =	sld [smem:$0x3FC9]  }
0x91: {  	s18 =	sld [smem:$0x3FC8]  }
0x92: {  	s4 =	sld [smem:$0x3FD0];
	(tm) =	ssettm $0x1  }
0x93: {  	s5 =	sld [smem:$0x3FFB];
	_ =	sdelay $0x3  }
0x94: {  	_ =	strace s5  }
0x95: {  	s5 =	sld [smem:$0x3FFC];
	_ =	sdelay $0x3  }
0x96: {  	_ =	strace s5  }
0x97: {  	s5 =	sld [smem:$0x3FFD];
	_ =	sdelay $0x3  }
0x98: {  	_ =	strace s5  }
0x99: {  	_ =	strace $0x8FFFFFFF  }
0x9a: {  	s19 =	sld [smem:$0x3FDB];
	_ =	sdelay $0x1  }
0x9b: {  	s6 =	simm.s32 $_scs_section_size  }
0x9c: {  	s7 =	simm.s32 $_size__tile_overlayer_lowered;
	s8 =	simm.s32 $_tile_overlayer_lowered  }
0x9d: {  	s22 =	simm.s32 $0x1BFF;
	s21 =	sshll.u32 s8, $0x1;
	s5 =	sadd.s32 s6, s19  }
0x9e: {  	s9 =	simm.s32 $0x0;
	s20 =	sshll.u32 s7, $0x1;
	s7 =	sadd.s32 s21, s5  }
0x9f: {  	[timem:s9], [sflag:s22] =	dma.local [hbm:s7], s20  }
0xa0: {  	_ =	swait.ge [sflag:s22], s20  }
0xa1: {  	s6 =	ssub.s32 $0x0, s20;
	[sflag:s22] =	ssyncset.done $0x0  }
0xa2: {  	[sflag:s22] =	ssyncadd.s32 s6;
	_ =	sdelay $0x1  }
0xa3: {  	s23 =	simm.s32 $0x1B8B  }
0xa4: {  	_ =	swait.ge [sflag:s23], $0x1  }
0xa5: {  	[sflag:s23] =	ssyncset.done $0x0  }
0xa6: {  	s25 =	simm.s32 $0x1B8E;
	s24 =	sld [smem:$0x3FFE];
	[sflag:s23] =	ssyncadd.s32 $0xFFFFFFFF  }
0xa7: {  	s26 =	simm.s32 $execute0_lowered;
	[smem:$0x3FD2] =	sst s25  }
0xa8: {  	s7 =	sshll.u32 s26, $0x1;
	_ =	strace $0x80000046;
	[dreg:$0x1] =	wrdreg $0xFFFFFFFF  }
0xa9: {  	s28 =	simm.s32 $_size_execute0_lowered;
	s5 =	sadd.s32 s5, s7;
	[dreg:$0x0] =	wrdreg $0x0  }
0xaa: {  	s7 =	sshll.u32 s28, $0x1;
	[dreg:$0x2] =	wrdreg s5  }
0xab: {  	[dreg:$0x3] =	wrdreg s7  }
0xac: {  	[dreg:$0x4] =	wrdreg $0xC0  }
0xad: {  	_ =	task [dreg:s9], $0x5FFFF  }
0xae: {  	[dreg:$0x1] =	wrdreg $0xFFFFFFFF  }
0xaf: {  	[dreg:$0x0] =	wrdreg $0x60  }
0xb0: {  	[dreg:$0x2] =	wrdreg s2  }
0xb1: {  	[dreg:$0x3] =	wrdreg s18  }
0xb2: {  	[dreg:$0x4] =	wrdreg s24  }
0xb3: {  	[dreg:$0x5] =	wrdreg s4  }
0xb4: {  	[dreg:$0x6] =	wrdreg $0x0  }
0xb5: {  	[dreg:$0x7] =	wrdreg $0x9  }
0xb6: {  	_ =	task.clear_ibuf [dreg:s9], $0x8FFFF;
	_ =	strace $0x90000046  }
0xb7: {  	s29 =	simm.s32 $0x9;
	_ =	strace $0x80000048  }
0xb8: {  	_ =	swait.ge [sflag:s29], $0x1  }
0xb9: {  	[sflag:s29] =	ssyncadd.s32 $0xFFFFFFFF  }
0xba: {  	_ =	strace $0x90000048  }
0xbb: {  	_ =	sfence  }
0xbc: {  	s30 =	sld [smem:$0x0];
	_ =	sdelay $0x2  }
0xbd: {  	s31 =	sshll.u32 s1, $0xD;
	s1 =	sshrl.u32 s1, $0x2  }
0xbe: {  	s3 =	sand.u32 $0x4000, s31;
	s1 =	sadd.s32 s1, s30  }
0xbf: {  	s0 =	sor.u32 s3, s0;
	s1 =	sshll.u32 s1, $0x11  }
0xc0: {  	s0 =	sor.u32 s1, s0  }
0xc1: {  	s0 =	sadd.s32 $0x8F2B, s0  }
0xc2: {  	[sflag:s0] =	ssyncadd.remote.s32 $0x1  }
0xc3: {  	_ =	sfence.sel $0xFFFF  }
0xc4: {  	[dreg:$0x0] =	wrdreg $0xFFFFFFFF;
	(pc) =	sbr.abs _section_cstart, $3  }
0xc5: {  	[dreg:$0x1] =	wrdreg $0xFFFFFFFF  }
0xc6: {  	_ =	task.clear_ibuf [dreg:s9], $0x2FFFF;
	_ =	strace $0x9FFFFFFF  }
0xc7: {  	(tm) =	ssettm $0x7FFFFFFF  }
tec
execute0_lowered:
.L_overlay_start_1:
0x0: {  	(tag) =	ssettag $0x1  }
0x1: {  	s0 =	rddreg [dreg:$0x0]  }
0x2: {  	s1 =	rddreg [dreg:$0x1]  }
0x3: {  	s2 =	rddreg [dreg:$0x2]  }
0x4: {  	s5 =	rddreg [dreg:$0x4];
	s3 =	simm.s32 $0x0;
	s4 =	srdreg.scid  }
0x5: {  	s10 =	stileid.u32;
	[smem:$0x7FF] =	sst s3  }
0x6: {  	s4 =	sand.u32 $0x1, s4;
	s6 =	sshll.u32 s10, $0x1;
	s17 =	sshll.u32 s10, $0x6  }
0x7: {  	_ =	strace $0x80000047;
	s6 =	sor.u32 s4, s6;
	s18 =	sor.u32 $0x1C0A, s17  }
0x8: {  	s8 =	sshll.u32 s6, $0xD;
	s16 =	sshll.u32 s6, $0xA;
	s6 =	sshll.u32 s6, $0x6  }
0x9: {  	s7 =	ssub.s32 $0x2, s4;
	[dreg:$0x8] =	wrdreg s18;
	s0 =	sadd.s32 s0, s6  }
0xa: {  	s4 =	sadd.s32 $0x600, s2;
	s20 =	sadd.s32 s1, s6;
	[dreg:$0x7] =	wrdreg s0  }
0xb: {  	s2 =	sadd.s32 s8, s2;
	s5 =	sadd.s32 s16, s5;
	[dreg:$0xa] =	wrdreg s20  }
0xc: {  	s19 =	sadd.s32 $0xF42A00, s2;
	[dreg:$0x6] =	wrdreg s5  }
0xd: {  	s21 =	sadd.s32 $0xF43200, s2;
	[dreg:$0x9] =	wrdreg s19  }
0xe: {  	s9 =	sshrl.u32 s7, $0x1;
	s22 =	sadd.s32 $0xF43A00, s2;
	[dreg:$0xb] =	wrdreg s21  }
0xf: {  	s7 =	ssub.s32 s7, s9;
	s23 =	sadd.s32 $0xF44200, s2;
	[dreg:$0xc] =	wrdreg s22  }
0x10: {  	s30 =	simm.s32 $0x2;
	s24 =	smax.u32 s7, $0x1;
	[dreg:$0xd] =	wrdreg s23  }
0x11: {  	s31 =	simm.s32 $0x3;
	s25 =	sadd.s32 $0x100, s5;
	[dreg:$0xe] =	wrdreg s24  }
0x12: {  	s18 =	simm.s32 $0x1;
	s26 =	sadd.s32 $0x200, s5;
	[dreg:$0xf] =	wrdreg s25  }
0x13: {  	s1 =	simm.s32 $0x5;
	s28 =	sadd.s32 $0x300, s5;
	[dreg:$0x10] =	wrdreg s26  }
0x14: {  	s29 =	sshrl.u32 s5, $0x3;
	s0 =	simm.s32 $0x4;
	[dreg:$0x11] =	wrdreg s28  }
0x15: {  	s20 =	simm.s32 $0x7;
	[dreg:$0x12] =	wrdreg s29;
	s21 =	simm.s32 $0xA  }
0x16: {  	s19 =	simm.s32 $0x6;
	s22 =	simm.s32 $0x8;
	s24 =	simm.s32 $0x0  }
.LBB2_1:
0x17: {  	s2 =	rddreg [dreg:$0x7]  }
0x18: {  	s5 =	rddreg [dreg:$0x8]  }
0x19: {  	s6 =	rddreg [dreg:$0x12];
	s7 =	simm.s32 $0x20;
	s8 =	simm.s32 $0x10  }
0x1a: {  	[spmem:s6@s7], [sflag:s5] =	dma.strided [hbm:s2@s8], $0x40, s18, $0x10   }
0x1b: {  	_ =	swait.ge [sflag:s21], $0x40  }
0x1c: {  	[sflag:s21] =	ssyncset.done $0x0  }
0x1d: {  	s13 =	rddreg [dreg:$0x6];
	[sflag:s21] =	ssyncadd.s32 $0xFFFFFFC0  }
0x1e: {  	[smem:s3], [sflag:$0xA] =	stream.linear.gather [spmem:s13], $0x80, $0x38;
	[tilespmem:$0x18A00] =	vst v63  }
0x1f: {  	s14 =	simm.s32 $0x80;
	s2 =	rddreg [dreg:$0xf]  }
0x20: {  	[smem:s14], [sflag:$0xA] =	stream.linear.gather [spmem:s2], $0x80, $0x38;
	[tilespmem:$0x18A00] =	vst v63  }
0x21: {  	s15 =	simm.s32 $0x100;
	s2 =	rddreg [dreg:$0x10]  }
0x22: {  	[smem:s15], [sflag:$0xA] =	stream.linear.gather [spmem:s2], $0x80, $0x38;
	[tilespmem:$0x18A00] =	vst v63  }
0x23: {  	s16 =	simm.s32 $0x180;
	s2 =	rddreg [dreg:$0x11]  }
0x24: {  	[smem:s16], [sflag:$0xA] =	stream.linear.gather [spmem:s2], $0x80, $0x38;
	[tilespmem:$0x18A00] =	vst v63  }
0x25: {  	_ =	swait.ge [sflag:s21], $0x200  }
0x26: {  	[sflag:s21] =	ssyncset.done $0x0  }
0x27: {  	s23 =	simm.s32 $0x800;
	s17 =	rddreg [dreg:$0xa];
	[sflag:s21] =	ssyncadd.s32 $0xFFFFFE00  }
0x28: {  	[tilespmem:s23], [sflag:$0xA] =	stream.linear.gather [hbm4b:s17+s3], $0x200, $0x38;
	[tilespmem:$0x18A00] =	vst v63  }
0x29: {  	_ =	swait.ge [sflag:s21], $0x200  }
0x2a: {  	[sflag:s21] =	ssyncset.done $0x0  }
0x2b: {  	[sflag:s21] =	ssyncadd.s32 $0xFFFFFE00  }
0x2c: {  	s26 =	simm.s32 $0x200;
	s29 =	simm.s32 $0x8A00;
	s25 =	rddreg [dreg:$0x3]  }
0x2d: {  	[tilespmem:s29], [sflag:$0x9] =	stream.indirect.gather [hbm4b:s25+s26], $0x80, s23, s26, $0xb8;
	[tilespmem:$0x18A00] =	vst v63  }
0x2e: {  	s5 =	sld [smem:$0x2]  }
0x2f: {  	s9 =	sld [smem:$0x1]  }
0x30: {  	s28 =	simm.s32 $0x10;
	s6 =	simm.s32 $0xD80;
	s10 =	sld [smem:$0x0]  }
0x31: {  	s26 =	simm.s32 $0xB80;
	s13 =	sshra.s32 s5, $0x1F;
	s8 =	sshll.u32 s5, $0x7  }
0x32: {  	s11 =	sshll.u32 s9, $0x7;
	s12 =	sshra.s32 s9, $0x1F;
	s13 =	sshrl.u32 s13, $0x1C  }
0x33: {  	s8 =	sand.u32 $0xFFFFF800, s8;
	s14 =	sshra.s32 s10, $0x1F;
	s12 =	sshrl.u32 s12, $0x1C  }
0x34: {  	s13 =	sadd.s32 s13, s5;
	s7 =	sshrl.u32 s14, $0x1C;
	s12 =	sadd.s32 s12, s9  }
0x35: {  	s13 =	sand.u32 $0x1FFFFF0, s13;
	s14 =	sld [smem:$0x3];
	s7 =	sadd.s32 s7, s10  }
0x36: {  	s12 =	sand.u32 $0x1FFFFF0, s12;
	s16 =	ssub.s32 s5, s13;
	s25 =	sand.u32 $0x1FFFFF0, s7  }
0x37: {  	s7 =	simm.s32 $0xA00;
	s12 =	ssub.s32 s9, s12;
	s25 =	ssub.s32 s10, s25  }
0x38: {  	s10 =	sshll.u32 s10, $0x7;
	s12 =	sshll.u32 s12, $0x7;
	s25 =	sshll.u32 s25, $0x7  }
0x39: {  	s10 =	sand.u32 $0xFFFFF800, s10;
	s15 =	sand.u32 $0xFFFFFC00, s25;
	s17 =	sand.u32 $0x380, s25  }
0x3a: {  	s25 =	sshra.s32 s14, $0x1F;
	s9 =	sadd.s32 s10, s15;
	s10 =	sshll.u32 s16, $0x7  }
0x3b: {  	s13 =	sor.u32 s17, s9;
	s23 =	sand.u32 $0xFFFFFC00, s10;
	s9 =	sand.u32 $0xFFFFF800, s11  }
0x3c: {  	s11 =	sshrl.u32 s25, $0x1C;
	s10 =	sand.u32 $0x380, s10;
	s8 =	sadd.s32 s8, s23  }
0x3d: {  	s29 =	sadd.s32 s11, s14;
	s11 =	sand.u32 $0xFFFFFC00, s12;
	s15 =	sshrl.u32 s13, $0x3  }
0x3e: {  	s25 =	sor.u32 s10, s8;
	s10 =	sand.u32 $0x380, s12;
	s8 =	sand.u32 $0x1FFFFF0, s29  }
0x3f: {  	s12 =	sshll.u32 s14, $0x7;
	s13 =	ssub.s32 s14, s8;
	s8 =	sadd.s32 s4, s15  }
.LBB2_2:
0x40: {  	[tilespmem:s7], [sflag:$0x1] =	stream.linear.gather [hbm4b:s8+s3], $0x80, $0x38;
	[tilespmem:$0x18A00] =	vst v63  }
0x41: {  	s7 =	smov.u32 s28;
	s8 =	smov.u32 s26;
	s26 =	smov.u32 s6  }
0x42: {  	s9 =	sadd.s32 s9, s11;
	s11 =	sshrl.u32 s25, $0x3;
	s13 =	sshll.u32 s13, $0x7  }
0x43: {  	s12 =	sand.u32 $0xFFFFF800, s12;
	s14 =	sand.u32 $0xFFFFFC00, s13;
	s13 =	sand.u32 $0x380, s13  }
0x44: {  	p0 =	sne.s32 s28, $0x1F0;
	s9 =	sor.u32 s10, s9;
	s10 =	sadd.s32 s12, s14  }
0x45: {  	s28 =	sadd.s32 $0x10, s28;
	s9 =	sshrl.u32 s9, $0x3;
	s10 =	sor.u32 s13, s10  }
0x46: {  	s10 =	sshrl.u32 s10, $0x3  }
0x47: {  	s12 =	sshra.s32 s7, $0x2;
	s25 =	sadd.s32 s4, s10  }
0x48: {  	s13 =	sld [smem:s12+$0x2]  }
0x49: {  	s7 =	sadd.s32 $0xFFFFFF00, s8;
	s14 =	sadd.s32 $0xFFFFFF80, s8;
	s10 =	sld [smem:s12+$0x1]  }
0x4a: {  	s6 =	sadd.s32 $0x200, s6;
	s9 =	sadd.s32 s4, s9;
	s15 =	sld [smem:s12+$0x0]  }
0x4b: {  	[tilespmem:s7], [sflag:$0x2] =	stream.linear.gather [hbm4b:s9+s3], $0x80, $0x38;
	[tilespmem:$0x18A00] =	vst v63  }
0x4c: {  	s16 =	sshra.s32 s13, $0x1F;
	s9 =	sshll.u32 s10, $0x7;
	s2 =	sshra.s32 s10, $0x1F  }
0x4d: {  	s7 =	sadd.s32 $0xFFFFFE80, s26;
	s23 =	sshll.u32 s13, $0x7;
	s17 =	sshra.s32 s15, $0x1F  }
0x4e: {  	s11 =	sadd.s32 s4, s11;
	s2 =	sshrl.u32 s2, $0x1C;
	s17 =	sshrl.u32 s17, $0x1C  }
0x4f: {  	s23 =	sand.u32 $0xFFFFF800, s23;
	s2 =	sadd.s32 s2, s10;
	s17 =	sadd.s32 s17, s15  }
0x50: {  	s5 =	sshll.u32 s15, $0x7;
	s2 =	sand.u32 $0x1FFFFF0, s2;
	s17 =	sand.u32 $0x1FFFFF0, s17  }
0x51: {  	s9 =	sand.u32 $0xFFFFF800, s9;
	s5 =	sand.u32 $0xFFFFF800, s5;
	s15 =	ssub.s32 s15, s17  }
0x52: {  	s2 =	ssub.s32 s10, s2;
	s10 =	sshrl.u32 s16, $0x1C;
	s15 =	sshll.u32 s15, $0x7  }
0x53: {  	s2 =	sshll.u32 s2, $0x7;
	s17 =	sadd.s32 s10, s13;
	s16 =	sand.u32 $0xFFFFFC00, s15  }
0x54: {  	s10 =	sand.u32 $0x380, s2;
	s5 =	sadd.s32 s5, s16;
	s16 =	sld [smem:s12+$0x3]  }
0x55: {  	[tilespmem:s14], [sflag:$0x3] =	stream.linear.gather [hbm4b:s11+s3], $0x80, $0x38;
	[tilespmem:$0x18A00] =	vst v63  }
0x56: {  	s11 =	sand.u32 $0xFFFFFC00, s2;
	s2 =	sand.u32 $0x1FFFFF0, s17  }
0x57: {  	s14 =	sand.u32 $0x380, s15;
	s2 =	ssub.s32 s13, s2  }
0x58: {  	s5 =	sor.u32 s14, s5;
	s12 =	sshll.u32 s16, $0x7;
	s13 =	sshra.s32 s16, $0x1F  }
.Ltmp0:
0x59: {  	s2 =	sshll.u32 s2, $0x7;
	s13 =	sshrl.u32 s13, $0x1C;
	(pc) =	sbr.rel @p0 .LBB2_2-.Ltmp0, $4  }
0x5a: {  	[tilespmem:s8], [sflag:$0x4] =	stream.linear.gather [hbm4b:s25+s3], $0x80, $0x38;
	[tilespmem:$0x18A00] =	vst v63  }
0x5b: {  	s8 =	sand.u32 $0xFFFFFC00, s2;
	s2 =	sand.u32 $0x380, s2;
	s13 =	sadd.s32 s13, s16  }
0x5c: {  	s5 =	sshrl.u32 s5, $0x3;
	s14 =	sadd.s32 s23, s8;
	s13 =	sand.u32 $0x1FFFFF0, s13  }
0x5d: {  	s8 =	sadd.s32 s4, s5;
	s25 =	sor.u32 s2, s14;
	s13 =	ssub.s32 s16, s13  }
0x5e: {  	[tilespmem:s7], [sflag:$0x1] =	stream.linear.gather [hbm4b:s8+s3], $0x80, $0x38;
	[tilespmem:$0x18A00] =	vst v63  }
0x5f: {  	s2 =	sadd.s32 s9, s11;
	s5 =	sshrl.u32 s25, $0x3;
	s6 =	sshll.u32 s13, $0x7  }
0x60: {  	s23 =	sand.u32 $0xFFFFF800, s12;
	s25 =	sand.u32 $0xFFFFFC00, s6;
	s2 =	sor.u32 s10, s2  }
0x61: {  	s6 =	sand.u32 $0x380, s6;
	s7 =	sadd.s32 s23, s25;
	s2 =	sshrl.u32 s2, $0x3  }
0x62: {  	s29 =	sadd.s32 $0xFFFFFF00, s26;
	s6 =	sor.u32 s6, s7;
	s2 =	sadd.s32 s4, s2  }
0x63: {  	[tilespmem:s29], [sflag:$0x2] =	stream.linear.gather [hbm4b:s2+s3], $0x80, $0x38;
	[tilespmem:$0x18A00] =	vst v63  }
0x64: {  	s9 =	sadd.s32 $0xFFFFFF80, s26;
	s5 =	sadd.s32 s4, s5;
	s8 =	sshrl.u32 s6, $0x3  }
0x65: {  	[tilespmem:s9], [sflag:$0x3] =	stream.linear.gather [hbm4b:s5+s3], $0x80, $0x38;
	[tilespmem:$0x18A00] =	vst v63  }
0x66: {  	s10 =	simm.s32 $0x9;
	s2 =	sadd.s32 s4, s8  }
0x67: {  	[tilespmem:s26], [sflag:$0x4] =	stream.linear.gather [hbm4b:s2+s3], $0x80, $0x38;
	[tilespmem:$0x18A00] =	vst v63  }
0x68: {  	_ =	swait.ge [sflag:s10], $0x10000  }
0x69: {  	[sflag:s10] =	ssyncset.done $0x0  }
0x6a: {  	[sflag:s10] =	ssyncadd.s32 $0xFFFF0000  }
0x6b: {  	s2 =	sld [smem:$0x82]  }
0x6c: {  	s11 =	sld [smem:$0x81]  }
0x6d: {  	s28 =	simm.s32 $0x10;
	s7 =	simm.s32 $0x4A00;
	s15 =	sld [smem:$0x80]  }
0x6e: {  	s6 =	simm.s32 $0x4D80;
	s26 =	simm.s32 $0x4B80;
	s23 =	sshra.s32 s2, $0x1F  }
0x6f: {  	s29 =	sshll.u32 s2, $0x7;
	s16 =	sshll.u32 s11, $0x7;
	s17 =	sshra.s32 s11, $0x1F  }
0x70: {  	s13 =	sand.u32 $0xFFFFF800, s29;
	s25 =	sshra.s32 s15, $0x1F;
	s10 =	sshrl.u32 s17, $0x1C  }
0x71: {  	s14 =	sshll.u32 s15, $0x7;
	s12 =	sshrl.u32 s25, $0x1C;
	s10 =	sadd.s32 s10, s11  }
0x72: {  	s14 =	sand.u32 $0xFFFFF800, s14;
	s12 =	sadd.s32 s12, s15;
	s10 =	sand.u32 $0x1FFFFF0, s10  }
0x73: {  	s25 =	sand.u32 $0xFFFFF800, s16;
	s12 =	sand.u32 $0x1FFFFF0, s12;
	s5 =	ssub.s32 s11, s10  }
0x74: {  	s11 =	sshrl.u32 s23, $0x1C;
	s8 =	ssub.s32 s15, s12;
	s5 =	sshll.u32 s5, $0x7  }
0x75: {  	s15 =	sld [smem:$0x83];
	s16 =	sadd.s32 s11, s2;
	s8 =	sshll.u32 s8, $0x7  }
0x76: {  	s9 =	sand.u32 $0x380, s5;
	s11 =	sand.u32 $0xFFFFFC00, s5;
	s17 =	sand.u32 $0x1FFFFF0, s16  }
0x77: {  	s12 =	sand.u32 $0xFFFFFC00, s8;
	s8 =	sand.u32 $0x380, s8;
	s2 =	ssub.s32 s2, s17  }
0x78: {  	s10 =	sadd.s32 s14, s12;
	s12 =	sshll.u32 s15, $0x7;
	s23 =	sshra.s32 s15, $0x1F  }
0x79: {  	s2 =	sshll.u32 s2, $0x7;
	s8 =	sor.u32 s8, s10;
	s5 =	sshrl.u32 s23, $0x1C  }
0x7a: {  	s29 =	sand.u32 $0xFFFFFC00, s2;
	s2 =	sand.u32 $0x380, s2;
	s5 =	sadd.s32 s5, s15  }
0x7b: {  	s8 =	sshrl.u32 s8, $0x3;
	s10 =	sadd.s32 s13, s29;
	s5 =	sand.u32 $0x1FFFFF0, s5  }
0x7c: {  	s8 =	sadd.s32 s4, s8;
	s10 =	sor.u32 s2, s10;
	s13 =	ssub.s32 s15, s5  }
.LBB2_4:
0x7d: {  	[tilespmem:s7], [sflag:$0x5] =	stream.linear.gather [hbm4b:s8+s3], $0x80, $0x38;
	[tilespmem:$0x18A00] =	vst v63  }
0x7e: {  	s2 =	smov.u32 s28;
	s8 =	smov.u32 s26;
	s26 =	smov.u32 s6  }
0x7f: {  	s5 =	sadd.s32 s25, s11;
	s11 =	sshrl.u32 s10, $0x3;
	s7 =	sshll.u32 s13, $0x7  }
0x80: {  	s10 =	sand.u32 $0xFFFFF800, s12;
	s12 =	sand.u32 $0xFFFFFC00, s7;
	s7 =	sand.u32 $0x380, s7  }
0x81: {  	p0 =	sne.s32 s28, $0x1F0;
	s5 =	sor.u32 s9, s5;
	s9 =	sadd.s32 s10, s12  }
0x82: {  	s28 =	sadd.s32 $0x10, s28;
	s5 =	sshrl.u32 s5, $0x3;
	s7 =	sor.u32 s7, s9  }
0x83: {  	s7 =	sshrl.u32 s7, $0x3  }
0x84: {  	s2 =	sshra.s32 s2, $0x2;
	s10 =	sadd.s32 s4, s7  }
0x85: {  	s6 =	sadd.s32 $0x200, s6;
	s12 =	sld [smem:s2+$0x82]  }
0x86: {  	s13 =	sadd.s32 $0xFFFFFF80, s8;
	s7 =	sadd.s32 $0xFFFFFF00, s8;
	s9 =	sld [smem:s2+$0x81]  }
0x87: {  	s11 =	sadd.s32 s4, s11;
	s5 =	sadd.s32 s4, s5;
	s14 =	sld [smem:s2+$0x80]  }
0x88: {  	[tilespmem:s7], [sflag:$0x6] =	stream.linear.gather [hbm4b:s5+s3], $0x80, $0x38;
	[tilespmem:$0x18A00] =	vst v63  }
0x89: {  	s16 =	sshra.s32 s12, $0x1F;
	s5 =	sshll.u32 s9, $0x7;
	s15 =	sshra.s32 s9, $0x1F  }
0x8a: {  	s7 =	sadd.s32 $0xFFFFFE80, s26;
	s23 =	sshll.u32 s12, $0x7;
	s17 =	sshra.s32 s14, $0x1F  }
0x8b: {  	s23 =	sand.u32 $0xFFFFF800, s23;
	s15 =	sshrl.u32 s15, $0x1C;
	s17 =	sshrl.u32 s17, $0x1C  }
0x8c: {  	s25 =	sshll.u32 s14, $0x7;
	s15 =	sadd.s32 s15, s9;
	s17 =	sadd.s32 s17, s14  }
0x8d: {  	s29 =	sand.u32 $0xFFFFF800, s25;
	s15 =	sand.u32 $0x1FFFFF0, s15;
	s17 =	sand.u32 $0x1FFFFF0, s17  }
0x8e: {  	s25 =	sand.u32 $0xFFFFF800, s5;
	s9 =	ssub.s32 s9, s15;
	s14 =	ssub.s32 s14, s17  }
0x8f: {  	s5 =	sshll.u32 s14, $0x7;
	s14 =	sshrl.u32 s16, $0x1C;
	s16 =	sshll.u32 s9, $0x7  }
0x90: {  	s15 =	sand.u32 $0xFFFFFC00, s5;
	s14 =	sadd.s32 s14, s12;
	s9 =	sand.u32 $0x380, s16  }
0x91: {  	s5 =	sand.u32 $0x380, s5;
	s15 =	sadd.s32 s29, s15;
	s2 =	sld [smem:s2+$0x83]  }
0x92: {  	[tilespmem:s13], [sflag:$0x7] =	stream.linear.gather [hbm4b:s11+s3], $0x80, $0x38;
	[tilespmem:$0x18A00] =	vst v63  }
0x93: {  	s11 =	sand.u32 $0xFFFFFC00, s16;
	s13 =	sand.u32 $0x1FFFFF0, s14;
	s5 =	sor.u32 s5, s15  }
0x94: {  	s13 =	ssub.s32 s12, s13;
	s12 =	sshll.u32 s2, $0x7;
	s14 =	sshra.s32 s2, $0x1F  }
.Ltmp1:
0x95: {  	s13 =	sshll.u32 s13, $0x7;
	s14 =	sshrl.u32 s14, $0x1C;
	(pc) =	sbr.rel @p0 .LBB2_4-.Ltmp1, $4  }
0x96: {  	[tilespmem:s8], [sflag:$0x8] =	stream.linear.gather [hbm4b:s10+s3], $0x80, $0x38;
	[tilespmem:$0x18A00] =	vst v63  }
0x97: {  	s8 =	sand.u32 $0xFFFFFC00, s13;
	s10 =	sand.u32 $0x380, s13;
	s13 =	sadd.s32 s14, s2  }
0x98: {  	s5 =	sshrl.u32 s5, $0x3;
	s14 =	sadd.s32 s23, s8;
	s13 =	sand.u32 $0x1FFFFF0, s13  }
0x99: {  	s8 =	sadd.s32 s4, s5;
	s10 =	sor.u32 s10, s14;
	s13 =	ssub.s32 s2, s13  }
0x9a: {  	[tilespmem:s7], [sflag:$0x5] =	stream.linear.gather [hbm4b:s8+s3], $0x80, $0x38;
	[tilespmem:$0x18A00] =	vst v63  }
0x9b: {  	s2 =	sadd.s32 s25, s11;
	s5 =	sshrl.u32 s10, $0x3;
	s6 =	sshll.u32 s13, $0x7  }
0x9c: {  	s17 =	sand.u32 $0xFFFFF800, s12;
	s23 =	sand.u32 $0xFFFFFC00, s6;
	s2 =	sor.u32 s9, s2  }
0x9d: {  	s6 =	sand.u32 $0x380, s6;
	s7 =	sadd.s32 s17, s23;
	s2 =	sshrl.u32 s2, $0x3  }
0x9e: {  	s25 =	sadd.s32 $0xFFFFFF00, s26;
	s6 =	sor.u32 s6, s7;
	s2 =	sadd.s32 s4, s2  }
0x9f: {  	[tilespmem:s25], [sflag:$0x6] =	stream.linear.gather [hbm4b:s2+s3], $0x80, $0x38;
	[tilespmem:$0x18A00] =	vst v63  }
0xa0: {  	s29 =	sadd.s32 $0xFFFFFF80, s26;
	s5 =	sadd.s32 s4, s5;
	s28 =	sshrl.u32 s6, $0x3  }
0xa1: {  	[tilespmem:s29], [sflag:$0x7] =	stream.linear.gather [hbm4b:s5+s3], $0x80, $0x38;
	[tilespmem:$0x18A00] =	vst v63  }
0xa2: {  	s2 =	sadd.s32 s4, s28  }
0xa3: {  	[tilespmem:s26], [sflag:$0x8] =	stream.linear.gather [hbm4b:s2+s3], $0x80, $0x38;
	[tilespmem:$0x18A00] =	vst v63  }
0xa4: {  	_ =	swait.ge [sflag:s18], $0x1000  }
0xa5: {  	[sflag:s18] =	ssyncset.done $0x0  }
0xa6: {  	[sflag:s18] =	ssyncadd.s32 $0xFFFFF000  }
0xa7: {  	_ =	swait.ge [sflag:s30], $0x1000  }
0xa8: {  	[sflag:s30] =	ssyncset.done $0x0  }
0xa9: {  	[sflag:s30] =	ssyncadd.s32 $0xFFFFF000  }
0xaa: {  	_ =	swait.ge [sflag:s31], $0x1000  }
0xab: {  	[sflag:s31] =	ssyncset.done $0x0  }
0xac: {  	[sflag:s31] =	ssyncadd.s32 $0xFFFFF000  }
0xad: {  	_ =	swait.ge [sflag:s0], $0x1000  }
0xae: {  	[sflag:s0] =	ssyncset.done $0x0  }
0xaf: {  	s6 =	simm.s32 $0x0;
	[sflag:s0] =	ssyncadd.s32 $0xFFFFF000  }
0xb0: {  	v5 =	vld [tilespmem:s6+$0x8A00]  }
0xb1: {  	v6 =	vld [tilespmem:s6+$0x8A10]  }
0xb2: {  	v1 =	vld [tilespmem:s6+$0x8A20]  }
0xb3: {  	v0 =	vld [tilespmem:s6+$0x8A30]  }
0xb4: {  	v2 =	vld [tilespmem:s6+$0xA00]  }
0xb5: {  	v4 =	vld [tilespmem:s6+$0xA10]  }
0xb6: {  	s7 =	simm.s32 $0x200;
	v3 =	vld [tilespmem:s6+$0xA20]  }
.LBB2_6:
0xb7: {  	s2 =	sshra.s32 s7, $0x2;
	p0 =	sne.s32 s7, $0xFE00;
	v7 =	vld [tilespmem:s6+$0xA30];
	v8 =	vmov v1  }
0xb8: {  	v9 =	vld [tilespmem:s2+$0x8A00];
	v10 =	vmov v0  }
0xb9: {  	v11 =	vld [tilespmem:s2+$0x8A10];
	v2 =	vmul.f32 v5, v2  }
.Ltmp2:
0xba: {  	v1 =	vld [tilespmem:s2+$0x8A20];
	v4 =	vmul.f32 v6, v4;
	(pc) =	sbr.rel @p0 .LBB2_6-.Ltmp2, $4  }
0xbb: {  	v0 =	vld [tilespmem:s2+$0x8A30];
	[tilespmem:s6+$0xA00] =	vst v2;
	v3 =	vmul.f32 v8, v3  }
0xbc: {  	v2 =	vld [tilespmem:s2+$0xA00];
	[tilespmem:s6+$0xA10] =	vst v4;
	v7 =	vmul.f32 v10, v7  }
0xbd: {  	v4 =	vld [tilespmem:s2+$0xA10];
	[tilespmem:s6+$0xA20] =	vst v3;
	v5 =	vmov v9  }
0xbe: {  	s7 =	sadd.s32 $0x200, s7;
	v3 =	vld [tilespmem:s2+$0xA20];
	[tilespmem:s6+$0xA30] =	vst v7;
	v6 =	vmov v11;
	s6 =	smov.u32 s2  }
0xbf: {  	v7 =	vld [tilespmem:s6+$0xA30];
	_ =	sdelay $0x1  }
0xc0: {  	v2 =	vmul.f32 v5, v2  }
0xc1: {  	v4 =	vmul.f32 v6, v4  }
0xc2: {  	[tilespmem:s6+$0xA00] =	vst v2;
	v1 =	vmul.f32 v1, v3  }
0xc3: {  	[tilespmem:s6+$0xA10] =	vst v4;
	v0 =	vmul.f32 v0, v7  }
0xc4: {  	[tilespmem:s6+$0xA20] =	vst v1  }
0xc5: {  	s2 =	simm.s32 $0x0;
	s5 =	rddreg [dreg:$0x9];
	s17 =	simm.s32 $0xA00;
	[tilespmem:s6+$0xA30] =	vst v0  }
0xc6: {  	[hbm4b:s5+s2] =	stream.linear.scatter [tilespmem:s17], [sflag:$0xA], $0x4000, $0x38;
	[tilespmem:$0x18A00] =	vst v63  }
0xc7: {  	_ =	swait.ge [sflag:s21], $0x4000  }
0xc8: {  	[sflag:s21] =	ssyncset.done $0x0  }
0xc9: {  	[sflag:s21] =	ssyncadd.s32 $0xFFFFC000  }
0xca: {  	s23 =	sld [smem:$0x102]  }
0xcb: {  	s29 =	sld [smem:$0x101]  }
0xcc: {  	s26 =	simm.s32 $0xB80;
	s28 =	simm.s32 $0x10;
	s7 =	simm.s32 $0xA00  }
0xcd: {  	s6 =	simm.s32 $0xD80;
	s8 =	sld [smem:$0x100];
	s11 =	sshra.s32 s23, $0x1F  }
0xce: {  	s13 =	sshll.u32 s23, $0x7;
	s15 =	sld [smem:$0x103];
	s9 =	sshll.u32 s29, $0x7  }
0xcf: {  	s10 =	sshra.s32 s29, $0x1F;
	s13 =	sand.u32 $0xFFFFF800, s13;
	s11 =	sshrl.u32 s11, $0x1C  }
0xd0: {  	s12 =	sshra.s32 s8, $0x1F;
	s10 =	sshrl.u32 s10, $0x1C;
	s14 =	sshll.u32 s8, $0x7  }
0xd1: {  	s25 =	sand.u32 $0xFFFFF800, s9;
	s16 =	sadd.s32 s11, s23;
	s12 =	sshrl.u32 s12, $0x1C  }
0xd2: {  	s10 =	sadd.s32 s10, s29;
	s14 =	sand.u32 $0xFFFFF800, s14;
	s17 =	sand.u32 $0x1FFFFF0, s16  }
0xd3: {  	s12 =	sadd.s32 s12, s8;
	s10 =	sand.u32 $0x1FFFFF0, s10;
	s2 =	ssub.s32 s23, s17  }
0xd4: {  	s23 =	sshra.s32 s15, $0x1F;
	s12 =	sand.u32 $0x1FFFFF0, s12;
	s5 =	ssub.s32 s29, s10  }
0xd5: {  	s2 =	sshll.u32 s2, $0x7;
	s8 =	ssub.s32 s8, s12;
	s5 =	sshll.u32 s5, $0x7  }
0xd6: {  	s29 =	sand.u32 $0xFFFFFC00, s2;
	s2 =	sand.u32 $0x380, s2;
	s8 =	sshll.u32 s8, $0x7  }
0xd7: {  	s9 =	sand.u32 $0x380, s5;
	s11 =	sand.u32 $0xFFFFFC00, s5;
	s12 =	sand.u32 $0xFFFFFC00, s8  }
0xd8: {  	s5 =	sshrl.u32 s23, $0x1C;
	s8 =	sand.u32 $0x380, s8;
	s10 =	sadd.s32 s14, s12  }
0xd9: {  	s5 =	sadd.s32 s5, s15;
	s12 =	sshll.u32 s15, $0x7;
	s8 =	sor.u32 s8, s10  }
0xda: {  	s5 =	sand.u32 $0x1FFFFF0, s5;
	s10 =	sadd.s32 s13, s29;
	s8 =	sshrl.u32 s8, $0x3  }
0xdb: {  	s13 =	ssub.s32 s15, s5;
	s10 =	sor.u32 s2, s10;
	s8 =	sadd.s32 s4, s8  }
.LBB2_8:
0xdc: {  	[tilespmem:s7], [sflag:$0x1] =	stream.linear.gather [hbm4b:s8+s3], $0x80, $0x38;
	[tilespmem:$0x18A00] =	vst v63  }
0xdd: {  	s2 =	smov.u32 s28;
	s8 =	smov.u32 s26;
	s26 =	smov.u32 s6  }
0xde: {  	s5 =	sadd.s32 s25, s11;
	s11 =	sshrl.u32 s10, $0x3;
	s7 =	sshll.u32 s13, $0x7  }
0xdf: {  	s10 =	sand.u32 $0xFFFFF800, s12;
	s12 =	sand.u32 $0xFFFFFC00, s7;
	s7 =	sand.u32 $0x380, s7  }
0xe0: {  	p0 =	sne.s32 s28, $0x1F0;
	s5 =	sor.u32 s9, s5;
	s9 =	sadd.s32 s10, s12  }
0xe1: {  	s28 =	sadd.s32 $0x10, s28;
	s5 =	sshrl.u32 s5, $0x3;
	s7 =	sor.u32 s7, s9  }
0xe2: {  	s7 =	sshrl.u32 s7, $0x3  }
0xe3: {  	s2 =	sshra.s32 s2, $0x2;
	s10 =	sadd.s32 s4, s7  }
0xe4: {  	s6 =	sadd.s32 $0x200, s6;
	s12 =	sld [smem:s2+$0x102]  }
0xe5: {  	s13 =	sadd.s32 $0xFFFFFF80, s8;
	s7 =	sadd.s32 $0xFFFFFF00, s8;
	s9 =	sld [smem:s2+$0x101]  }
0xe6: {  	s11 =	sadd.s32 s4, s11;
	s5 =	sadd.s32 s4, s5;
	s14 =	sld [smem:s2+$0x100]  }
0xe7: {  	[tilespmem:s7], [sflag:$0x2] =	stream.linear.gather [hbm4b:s5+s3], $0x80, $0x38;
	[tilespmem:$0x18A00] =	vst v63  }
0xe8: {  	s16 =	sshra.s32 s12, $0x1F;
	s5 =	sshll.u32 s9, $0x7;
	s15 =	sshra.s32 s9, $0x1F  }
0xe9: {  	s7 =	sadd.s32 $0xFFFFFE80, s26;
	s23 =	sshll.u32 s12, $0x7;
	s17 =	sshra.s32 s14, $0x1F  }
0xea: {  	s23 =	sand.u32 $0xFFFFF800, s23;
	s15 =	sshrl.u32 s15, $0x1C;
	s17 =	sshrl.u32 s17, $0x1C  }
0xeb: {  	s25 =	sshll.u32 s14, $0x7;
	s15 =	sadd.s32 s15, s9;
	s17 =	sadd.s32 s17, s14  }
0xec: {  	s29 =	sand.u32 $0xFFFFF800, s25;
	s15 =	sand.u32 $0x1FFFFF0, s15;
	s17 =	sand.u32 $0x1FFFFF0, s17  }
0xed: {  	s25 =	sand.u32 $0xFFFFF800, s5;
	s9 =	ssub.s32 s9, s15;
	s14 =	ssub.s32 s14, s17  }
0xee: {  	s5 =	sshll.u32 s14, $0x7;
	s14 =	sshrl.u32 s16, $0x1C;
	s16 =	sshll.u32 s9, $0x7  }
0xef: {  	s15 =	sand.u32 $0xFFFFFC00, s5;
	s14 =	sadd.s32 s14, s12;
	s9 =	sand.u32 $0x380, s16  }
0xf0: {  	s5 =	sand.u32 $0x380, s5;
	s15 =	sadd.s32 s29, s15;
	s2 =	sld [smem:s2+$0x103]  }
0xf1: {  	[tilespmem:s13], [sflag:$0x3] =	stream.linear.gather [hbm4b:s11+s3], $0x80, $0x38;
	[tilespmem:$0x18A00] =	vst v63  }
0xf2: {  	s11 =	sand.u32 $0xFFFFFC00, s16;
	s13 =	sand.u32 $0x1FFFFF0, s14;
	s5 =	sor.u32 s5, s15  }
0xf3: {  	s13 =	ssub.s32 s12, s13;
	s12 =	sshll.u32 s2, $0x7;
	s14 =	sshra.s32 s2, $0x1F  }
.Ltmp3:
0xf4: {  	s13 =	sshll.u32 s13, $0x7;
	s14 =	sshrl.u32 s14, $0x1C;
	(pc) =	sbr.rel @p0 .LBB2_8-.Ltmp3, $4  }
0xf5: {  	[tilespmem:s8], [sflag:$0x4] =	stream.linear.gather [hbm4b:s10+s3], $0x80, $0x38;
	[tilespmem:$0x18A00] =	vst v63  }
0xf6: {  	s8 =	sand.u32 $0xFFFFFC00, s13;
	s10 =	sand.u32 $0x380, s13;
	s13 =	sadd.s32 s14, s2  }
0xf7: {  	s5 =	sshrl.u32 s5, $0x3;
	s14 =	sadd.s32 s23, s8;
	s13 =	sand.u32 $0x1FFFFF0, s13  }
0xf8: {  	s8 =	sadd.s32 s4, s5;
	s10 =	sor.u32 s10, s14;
	s13 =	ssub.s32 s2, s13  }
0xf9: {  	[tilespmem:s7], [sflag:$0x1] =	stream.linear.gather [hbm4b:s8+s3], $0x80, $0x38;
	[tilespmem:$0x18A00] =	vst v63  }
0xfa: {  	s2 =	sadd.s32 s25, s11;
	s5 =	sshrl.u32 s10, $0x3;
	s6 =	sshll.u32 s13, $0x7  }
0xfb: {  	s17 =	sand.u32 $0xFFFFF800, s12;
	s23 =	sand.u32 $0xFFFFFC00, s6;
	s2 =	sor.u32 s9, s2  }
0xfc: {  	s6 =	sand.u32 $0x380, s6;
	s7 =	sadd.s32 s17, s23;
	s2 =	sshrl.u32 s2, $0x3  }
0xfd: {  	s25 =	sadd.s32 $0xFFFFFF00, s26;
	s6 =	sor.u32 s6, s7;
	s2 =	sadd.s32 s4, s2  }
0xfe: {  	[tilespmem:s25], [sflag:$0x2] =	stream.linear.gather [hbm4b:s2+s3], $0x80, $0x38;
	[tilespmem:$0x18A00] =	vst v63  }
0xff: {  	s29 =	sadd.s32 $0xFFFFFF80, s26;
	s5 =	sadd.s32 s4, s5;
	s28 =	sshrl.u32 s6, $0x3  }
0x100: {  	[tilespmem:s29], [sflag:$0x3] =	stream.linear.gather [hbm4b:s5+s3], $0x80, $0x38;
	[tilespmem:$0x18A00] =	vst v63  }
0x101: {  	s2 =	sadd.s32 s4, s28  }
0x102: {  	[tilespmem:s26], [sflag:$0x4] =	stream.linear.gather [hbm4b:s2+s3], $0x80, $0x38;
	[tilespmem:$0x18A00] =	vst v63  }
0x103: {  	_ =	swait.ge [sflag:s1], $0x1000  }
0x104: {  	[sflag:s1] =	ssyncset.done $0x0  }
0x105: {  	[sflag:s1] =	ssyncadd.s32 $0xFFFFF000  }
0x106: {  	_ =	swait.ge [sflag:s19], $0x1000  }
0x107: {  	[sflag:s19] =	ssyncset.done $0x0  }
0x108: {  	[sflag:s19] =	ssyncadd.s32 $0xFFFFF000  }
0x109: {  	_ =	swait.ge [sflag:s20], $0x1000  }
0x10a: {  	[sflag:s20] =	ssyncset.done $0x0  }
0x10b: {  	[sflag:s20] =	ssyncadd.s32 $0xFFFFF000  }
0x10c: {  	_ =	swait.ge [sflag:s22], $0x1000  }
0x10d: {  	[sflag:s22] =	ssyncset.done $0x0  }
0x10e: {  	s6 =	simm.s32 $0x0;
	[sflag:s22] =	ssyncadd.s32 $0xFFFFF000  }
0x10f: {  	v5 =	vld [tilespmem:s6+$0xCA00]  }
0x110: {  	v6 =	vld [tilespmem:s6+$0xCA10]  }
0x111: {  	v1 =	vld [tilespmem:s6+$0xCA20]  }
0x112: {  	v0 =	vld [tilespmem:s6+$0xCA30]  }
0x113: {  	v2 =	vld [tilespmem:s6+$0x4A00]  }
0x114: {  	v4 =	vld [tilespmem:s6+$0x4A10]  }
0x115: {  	s7 =	simm.s32 $0x200;
	v3 =	vld [tilespmem:s6+$0x4A20]  }
.LBB2_10:
0x116: {  	s2 =	sshra.s32 s7, $0x2;
	p0 =	sne.s32 s7, $0xFE00;
	v7 =	vld [tilespmem:s6+$0x4A30];
	v8 =	vmov v1  }
0x117: {  	v9 =	vld [tilespmem:s2+$0xCA00];
	v10 =	vmov v0  }
0x118: {  	v11 =	vld [tilespmem:s2+$0xCA10];
	v2 =	vmul.f32 v5, v2  }
.Ltmp4:
0x119: {  	v1 =	vld [tilespmem:s2+$0xCA20];
	v4 =	vmul.f32 v6, v4;
	(pc) =	sbr.rel @p0 .LBB2_10-.Ltmp4, $4  }
0x11a: {  	v0 =	vld [tilespmem:s2+$0xCA30];
	[tilespmem:s6+$0x4A00] =	vst v2;
	v3 =	vmul.f32 v8, v3  }
0x11b: {  	v2 =	vld [tilespmem:s2+$0x4A00];
	[tilespmem:s6+$0x4A10] =	vst v4;
	v7 =	vmul.f32 v10, v7  }
0x11c: {  	v4 =	vld [tilespmem:s2+$0x4A10];
	[tilespmem:s6+$0x4A20] =	vst v3;
	v5 =	vmov v9  }
0x11d: {  	s7 =	sadd.s32 $0x200, s7;
	v3 =	vld [tilespmem:s2+$0x4A20];
	[tilespmem:s6+$0x4A30] =	vst v7;
	v6 =	vmov v11;
	s6 =	smov.u32 s2  }
0x11e: {  	v7 =	vld [tilespmem:s6+$0x4A30];
	_ =	sdelay $0x1  }
0x11f: {  	v2 =	vmul.f32 v5, v2  }
0x120: {  	v4 =	vmul.f32 v6, v4  }
0x121: {  	[tilespmem:s6+$0x4A00] =	vst v2;
	v1 =	vmul.f32 v1, v3  }
0x122: {  	[tilespmem:s6+$0x4A10] =	vst v4;
	v0 =	vmul.f32 v0, v7  }
0x123: {  	[tilespmem:s6+$0x4A20] =	vst v1  }
0x124: {  	s2 =	simm.s32 $0x0;
	s5 =	rddreg [dreg:$0xb];
	s17 =	simm.s32 $0x4A00;
	[tilespmem:s6+$0x4A30] =	vst v0  }
0x125: {  	[hbm4b:s5+s2] =	stream.linear.scatter [tilespmem:s17], [sflag:$0xA], $0x4000, $0x38;
	[tilespmem:$0x18A00] =	vst v63  }
0x126: {  	_ =	swait.ge [sflag:s21], $0x4000  }
0x127: {  	[sflag:s21] =	ssyncset.done $0x0  }
0x128: {  	[sflag:s21] =	ssyncadd.s32 $0xFFFFC000  }
0x129: {  	s23 =	sld [smem:$0x182]  }
0x12a: {  	s29 =	sld [smem:$0x181]  }
0x12b: {  	s26 =	simm.s32 $0x4B80;
	s28 =	simm.s32 $0x10;
	s7 =	simm.s32 $0x4A00  }
0x12c: {  	s6 =	simm.s32 $0x4D80;
	s8 =	sld [smem:$0x180];
	s11 =	sshra.s32 s23, $0x1F  }
0x12d: {  	s13 =	sshll.u32 s23, $0x7;
	s15 =	sld [smem:$0x183];
	s9 =	sshll.u32 s29, $0x7  }
0x12e: {  	s10 =	sshra.s32 s29, $0x1F;
	s13 =	sand.u32 $0xFFFFF800, s13;
	s11 =	sshrl.u32 s11, $0x1C  }
0x12f: {  	s12 =	sshra.s32 s8, $0x1F;
	s10 =	sshrl.u32 s10, $0x1C;
	s14 =	sshll.u32 s8, $0x7  }
0x130: {  	s25 =	sand.u32 $0xFFFFF800, s9;
	s16 =	sadd.s32 s11, s23;
	s12 =	sshrl.u32 s12, $0x1C  }
0x131: {  	s10 =	sadd.s32 s10, s29;
	s14 =	sand.u32 $0xFFFFF800, s14;
	s17 =	sand.u32 $0x1FFFFF0, s16  }
0x132: {  	s12 =	sadd.s32 s12, s8;
	s10 =	sand.u32 $0x1FFFFF0, s10;
	s2 =	ssub.s32 s23, s17  }
0x133: {  	s23 =	sshra.s32 s15, $0x1F;
	s12 =	sand.u32 $0x1FFFFF0, s12;
	s5 =	ssub.s32 s29, s10  }
0x134: {  	s2 =	sshll.u32 s2, $0x7;
	s8 =	ssub.s32 s8, s12;
	s5 =	sshll.u32 s5, $0x7  }
0x135: {  	s29 =	sand.u32 $0xFFFFFC00, s2;
	s2 =	sand.u32 $0x380, s2;
	s8 =	sshll.u32 s8, $0x7  }
0x136: {  	s9 =	sand.u32 $0x380, s5;
	s11 =	sand.u32 $0xFFFFFC00, s5;
	s12 =	sand.u32 $0xFFFFFC00, s8  }
0x137: {  	s5 =	sshrl.u32 s23, $0x1C;
	s8 =	sand.u32 $0x380, s8;
	s10 =	sadd.s32 s14, s12  }
0x138: {  	s5 =	sadd.s32 s5, s15;
	s12 =	sshll.u32 s15, $0x7;
	s8 =	sor.u32 s8, s10  }
0x139: {  	s5 =	sand.u32 $0x1FFFFF0, s5;
	s10 =	sadd.s32 s13, s29;
	s8 =	sshrl.u32 s8, $0x3  }
0x13a: {  	s13 =	ssub.s32 s15, s5;
	s10 =	sor.u32 s2, s10;
	s8 =	sadd.s32 s4, s8  }
.LBB2_12:
0x13b: {  	[tilespmem:s7], [sflag:$0x5] =	stream.linear.gather [hbm4b:s8+s3], $0x80, $0x38;
	[tilespmem:$0x18A00] =	vst v63  }
0x13c: {  	s2 =	smov.u32 s28;
	s8 =	smov.u32 s26;
	s26 =	smov.u32 s6  }
0x13d: {  	s5 =	sadd.s32 s25, s11;
	s11 =	sshrl.u32 s10, $0x3;
	s7 =	sshll.u32 s13, $0x7  }
0x13e: {  	s10 =	sand.u32 $0xFFFFF800, s12;
	s12 =	sand.u32 $0xFFFFFC00, s7;
	s7 =	sand.u32 $0x380, s7  }
0x13f: {  	p0 =	sne.s32 s28, $0x1F0;
	s5 =	sor.u32 s9, s5;
	s9 =	sadd.s32 s10, s12  }
0x140: {  	s28 =	sadd.s32 $0x10, s28;
	s5 =	sshrl.u32 s5, $0x3;
	s7 =	sor.u32 s7, s9  }
0x141: {  	s7 =	sshrl.u32 s7, $0x3  }
0x142: {  	s2 =	sshra.s32 s2, $0x2;
	s10 =	sadd.s32 s4, s7  }
0x143: {  	s6 =	sadd.s32 $0x200, s6;
	s12 =	sld [smem:s2+$0x182]  }
0x144: {  	s13 =	sadd.s32 $0xFFFFFF80, s8;
	s7 =	sadd.s32 $0xFFFFFF00, s8;
	s9 =	sld [smem:s2+$0x181]  }
0x145: {  	s11 =	sadd.s32 s4, s11;
	s5 =	sadd.s32 s4, s5;
	s14 =	sld [smem:s2+$0x180]  }
0x146: {  	[tilespmem:s7], [sflag:$0x6] =	stream.linear.gather [hbm4b:s5+s3], $0x80, $0x38;
	[tilespmem:$0x18A00] =	vst v63  }
0x147: {  	s16 =	sshra.s32 s12, $0x1F;
	s5 =	sshll.u32 s9, $0x7;
	s15 =	sshra.s32 s9, $0x1F  }
0x148: {  	s7 =	sadd.s32 $0xFFFFFE80, s26;
	s23 =	sshll.u32 s12, $0x7;
	s17 =	sshra.s32 s14, $0x1F  }
0x149: {  	s23 =	sand.u32 $0xFFFFF800, s23;
	s15 =	sshrl.u32 s15, $0x1C;
	s17 =	sshrl.u32 s17, $0x1C  }
0x14a: {  	s25 =	sshll.u32 s14, $0x7;
	s15 =	sadd.s32 s15, s9;
	s17 =	sadd.s32 s17, s14  }
0x14b: {  	s29 =	sand.u32 $0xFFFFF800, s25;
	s15 =	sand.u32 $0x1FFFFF0, s15;
	s17 =	sand.u32 $0x1FFFFF0, s17  }
0x14c: {  	s25 =	sand.u32 $0xFFFFF800, s5;
	s9 =	ssub.s32 s9, s15;
	s14 =	ssub.s32 s14, s17  }
0x14d: {  	s5 =	sshll.u32 s14, $0x7;
	s14 =	sshrl.u32 s16, $0x1C;
	s16 =	sshll.u32 s9, $0x7  }
0x14e: {  	s15 =	sand.u32 $0xFFFFFC00, s5;
	s14 =	sadd.s32 s14, s12;
	s9 =	sand.u32 $0x380, s16  }
0x14f: {  	s5 =	sand.u32 $0x380, s5;
	s15 =	sadd.s32 s29, s15;
	s2 =	sld [smem:s2+$0x183]  }
0x150: {  	[tilespmem:s13], [sflag:$0x7] =	stream.linear.gather [hbm4b:s11+s3], $0x80, $0x38;
	[tilespmem:$0x18A00] =	vst v63  }
0x151: {  	s11 =	sand.u32 $0xFFFFFC00, s16;
	s13 =	sand.u32 $0x1FFFFF0, s14;
	s5 =	sor.u32 s5, s15  }
0x152: {  	s13 =	ssub.s32 s12, s13;
	s12 =	sshll.u32 s2, $0x7;
	s14 =	sshra.s32 s2, $0x1F  }
.Ltmp5:
0x153: {  	s13 =	sshll.u32 s13, $0x7;
	s14 =	sshrl.u32 s14, $0x1C;
	(pc) =	sbr.rel @p0 .LBB2_12-.Ltmp5, $4  }
0x154: {  	[tilespmem:s8], [sflag:$0x8] =	stream.linear.gather [hbm4b:s10+s3], $0x80, $0x38;
	[tilespmem:$0x18A00] =	vst v63  }
0x155: {  	s8 =	sand.u32 $0xFFFFFC00, s13;
	s10 =	sand.u32 $0x380, s13;
	s13 =	sadd.s32 s14, s2  }
0x156: {  	s5 =	sshrl.u32 s5, $0x3;
	s14 =	sadd.s32 s23, s8;
	s13 =	sand.u32 $0x1FFFFF0, s13  }
0x157: {  	s8 =	sadd.s32 s4, s5;
	s10 =	sor.u32 s10, s14;
	s13 =	ssub.s32 s2, s13  }
0x158: {  	[tilespmem:s7], [sflag:$0x5] =	stream.linear.gather [hbm4b:s8+s3], $0x80, $0x38;
	[tilespmem:$0x18A00] =	vst v63  }
0x159: {  	s2 =	sadd.s32 s25, s11;
	s5 =	sshrl.u32 s10, $0x3;
	s6 =	sshll.u32 s13, $0x7  }
0x15a: {  	s17 =	sand.u32 $0xFFFFF800, s12;
	s23 =	sand.u32 $0xFFFFFC00, s6;
	s2 =	sor.u32 s9, s2  }
0x15b: {  	s6 =	sand.u32 $0x380, s6;
	s7 =	sadd.s32 s17, s23;
	s2 =	sshrl.u32 s2, $0x3  }
0x15c: {  	s25 =	sadd.s32 $0xFFFFFF00, s26;
	s6 =	sor.u32 s6, s7;
	s2 =	sadd.s32 s4, s2  }
0x15d: {  	[tilespmem:s25], [sflag:$0x6] =	stream.linear.gather [hbm4b:s2+s3], $0x80, $0x38;
	[tilespmem:$0x18A00] =	vst v63  }
0x15e: {  	s29 =	sadd.s32 $0xFFFFFF80, s26;
	s5 =	sadd.s32 s4, s5;
	s28 =	sshrl.u32 s6, $0x3  }
0x15f: {  	[tilespmem:s29], [sflag:$0x7] =	stream.linear.gather [hbm4b:s5+s3], $0x80, $0x38;
	[tilespmem:$0x18A00] =	vst v63  }
0x160: {  	s2 =	sadd.s32 s4, s28  }
0x161: {  	[tilespmem:s26], [sflag:$0x8] =	stream.linear.gather [hbm4b:s2+s3], $0x80, $0x38;
	[tilespmem:$0x18A00] =	vst v63  }
0x162: {  	_ =	swait.ge [sflag:s18], $0x1000  }
0x163: {  	[sflag:s18] =	ssyncset.done $0x0  }
0x164: {  	[sflag:s18] =	ssyncadd.s32 $0xFFFFF000  }
0x165: {  	_ =	swait.ge [sflag:s30], $0x1000  }
0x166: {  	[sflag:s30] =	ssyncset.done $0x0  }
0x167: {  	[sflag:s30] =	ssyncadd.s32 $0xFFFFF000  }
0x168: {  	_ =	swait.ge [sflag:s31], $0x1000  }
0x169: {  	[sflag:s31] =	ssyncset.done $0x0  }
0x16a: {  	[sflag:s31] =	ssyncadd.s32 $0xFFFFF000  }
0x16b: {  	_ =	swait.ge [sflag:s0], $0x1000  }
0x16c: {  	[sflag:s0] =	ssyncset.done $0x0  }
0x16d: {  	s6 =	simm.s32 $0x0;
	[sflag:s0] =	ssyncadd.s32 $0xFFFFF000  }
0x16e: {  	v5 =	vld [tilespmem:s6+$0x10A00]  }
0x16f: {  	v6 =	vld [tilespmem:s6+$0x10A10]  }
0x170: {  	v1 =	vld [tilespmem:s6+$0x10A20]  }
0x171: {  	v0 =	vld [tilespmem:s6+$0x10A30]  }
0x172: {  	v2 =	vld [tilespmem:s6+$0xA00]  }
0x173: {  	v4 =	vld [tilespmem:s6+$0xA10]  }
0x174: {  	s7 =	simm.s32 $0x200;
	v3 =	vld [tilespmem:s6+$0xA20]  }
.LBB2_14:
0x175: {  	s2 =	sshra.s32 s7, $0x2;
	p0 =	sne.s32 s7, $0xFE00;
	v7 =	vld [tilespmem:s6+$0xA30];
	v8 =	vmov v1  }
0x176: {  	v9 =	vld [tilespmem:s2+$0x10A00];
	v10 =	vmov v0  }
0x177: {  	v11 =	vld [tilespmem:s2+$0x10A10];
	v2 =	vmul.f32 v5, v2  }
.Ltmp6:
0x178: {  	v1 =	vld [tilespmem:s2+$0x10A20];
	v4 =	vmul.f32 v6, v4;
	(pc) =	sbr.rel @p0 .LBB2_14-.Ltmp6, $4  }
0x179: {  	v0 =	vld [tilespmem:s2+$0x10A30];
	[tilespmem:s6+$0xA00] =	vst v2;
	v3 =	vmul.f32 v8, v3  }
0x17a: {  	v2 =	vld [tilespmem:s2+$0xA00];
	[tilespmem:s6+$0xA10] =	vst v4;
	v7 =	vmul.f32 v10, v7  }
0x17b: {  	v4 =	vld [tilespmem:s2+$0xA10];
	[tilespmem:s6+$0xA20] =	vst v3;
	v5 =	vmov v9  }
0x17c: {  	s7 =	sadd.s32 $0x200, s7;
	v3 =	vld [tilespmem:s2+$0xA20];
	[tilespmem:s6+$0xA30] =	vst v7;
	v6 =	vmov v11;
	s6 =	smov.u32 s2  }
0x17d: {  	v7 =	vld [tilespmem:s6+$0xA30];
	_ =	sdelay $0x1  }
0x17e: {  	v2 =	vmul.f32 v5, v2  }
0x17f: {  	v4 =	vmul.f32 v6, v4  }
0x180: {  	[tilespmem:s6+$0xA00] =	vst v2;
	v1 =	vmul.f32 v1, v3  }
0x181: {  	[tilespmem:s6+$0xA10] =	vst v4;
	v0 =	vmul.f32 v0, v7  }
0x182: {  	[tilespmem:s6+$0xA20] =	vst v1  }
0x183: {  	s2 =	simm.s32 $0x0;
	s5 =	rddreg [dreg:$0xc];
	s29 =	simm.s32 $0xA00;
	[tilespmem:s6+$0xA30] =	vst v0  }
0x184: {  	[hbm4b:s5+s2] =	stream.linear.scatter [tilespmem:s29], [sflag:$0xA], $0x4000, $0x38;
	[tilespmem:$0x18A00] =	vst v63  }
0x185: {  	_ =	swait.ge [sflag:s21], $0x4000  }
0x186: {  	[sflag:s21] =	ssyncset.done $0x0  }
0x187: {  	[sflag:s21] =	ssyncadd.s32 $0xFFFFC000  }
0x188: {  	_ =	swait.ge [sflag:s1], $0x1000  }
0x189: {  	[sflag:s1] =	ssyncset.done $0x0  }
0x18a: {  	[sflag:s1] =	ssyncadd.s32 $0xFFFFF000  }
0x18b: {  	_ =	swait.ge [sflag:s19], $0x1000  }
0x18c: {  	[sflag:s19] =	ssyncset.done $0x0  }
0x18d: {  	[sflag:s19] =	ssyncadd.s32 $0xFFFFF000  }
0x18e: {  	_ =	swait.ge [sflag:s20], $0x1000  }
0x18f: {  	[sflag:s20] =	ssyncset.done $0x0  }
0x190: {  	[sflag:s20] =	ssyncadd.s32 $0xFFFFF000  }
0x191: {  	_ =	swait.ge [sflag:s22], $0x1000  }
0x192: {  	[sflag:s22] =	ssyncset.done $0x0  }
0x193: {  	s6 =	simm.s32 $0x0;
	[sflag:s22] =	ssyncadd.s32 $0xFFFFF000  }
0x194: {  	v5 =	vld [tilespmem:s6+$0x14A00]  }
0x195: {  	v6 =	vld [tilespmem:s6+$0x14A10]  }
0x196: {  	v1 =	vld [tilespmem:s6+$0x14A20]  }
0x197: {  	v0 =	vld [tilespmem:s6+$0x14A30]  }
0x198: {  	v2 =	vld [tilespmem:s6+$0x4A00]  }
0x199: {  	v4 =	vld [tilespmem:s6+$0x4A10]  }
0x19a: {  	s7 =	simm.s32 $0x200;
	v3 =	vld [tilespmem:s6+$0x4A20]  }
.LBB2_16:
0x19b: {  	s2 =	sshra.s32 s7, $0x2;
	p0 =	sne.s32 s7, $0xFE00;
	v7 =	vld [tilespmem:s6+$0x4A30];
	v8 =	vmov v1  }
0x19c: {  	v9 =	vld [tilespmem:s2+$0x14A00];
	v10 =	vmov v0  }
0x19d: {  	v11 =	vld [tilespmem:s2+$0x14A10];
	v2 =	vmul.f32 v5, v2  }
.Ltmp7:
0x19e: {  	v1 =	vld [tilespmem:s2+$0x14A20];
	v4 =	vmul.f32 v6, v4;
	(pc) =	sbr.rel @p0 .LBB2_16-.Ltmp7, $4  }
0x19f: {  	v0 =	vld [tilespmem:s2+$0x14A30];
	[tilespmem:s6+$0x4A00] =	vst v2;
	v3 =	vmul.f32 v8, v3  }
0x1a0: {  	v2 =	vld [tilespmem:s2+$0x4A00];
	[tilespmem:s6+$0x4A10] =	vst v4;
	v7 =	vmul.f32 v10, v7  }
0x1a1: {  	v4 =	vld [tilespmem:s2+$0x4A10];
	[tilespmem:s6+$0x4A20] =	vst v3;
	v5 =	vmov v9  }
0x1a2: {  	s7 =	sadd.s32 $0x200, s7;
	v3 =	vld [tilespmem:s2+$0x4A20];
	[tilespmem:s6+$0x4A30] =	vst v7;
	v6 =	vmov v11;
	s6 =	smov.u32 s2  }
0x1a3: {  	v7 =	vld [tilespmem:s6+$0x4A30];
	_ =	sdelay $0x1  }
0x1a4: {  	v2 =	vmul.f32 v5, v2  }
0x1a5: {  	v4 =	vmul.f32 v6, v4  }
0x1a6: {  	[tilespmem:s6+$0x4A00] =	vst v2;
	v1 =	vmul.f32 v1, v3  }
0x1a7: {  	[tilespmem:s6+$0x4A10] =	vst v4;
	v0 =	vmul.f32 v0, v7  }
0x1a8: {  	[tilespmem:s6+$0x4A20] =	vst v1  }
0x1a9: {  	s2 =	rddreg [dreg:$0xd];
	s5 =	simm.s32 $0x4A00;
	[tilespmem:s6+$0x4A30] =	vst v0  }
0x1aa: {  	[hbm4b:s2+s3] =	stream.linear.scatter [tilespmem:s5], [sflag:$0xA], $0x4000, $0x38;
	[tilespmem:$0x18A00] =	vst v63  }
0x1ab: {  	_ =	swait.ge [sflag:s21], $0x4000  }
0x1ac: {  	s24 =	sadd.s32 $0x1, s24;
	s29 =	rddreg [dreg:$0xe]  }
0x1ad: {  	p0 =	sne.s32 s24, s29  }
.Ltmp8:
0x1ae: {  	_ = 	snop;
	(pc) =	sbr.rel @p0 .LBB2_1-.Ltmp8, $3  }
0x1af: {  	_ =	sdelay $0x1  }
0x1b0: {  	[sflag:s21] =	ssyncset.done $0x0  }
0x1b1: {  	[sflag:s21] =	ssyncadd.s32 $0xFFFFC000  }
0x1b2: {  	_ =	sfence.sel $0x180000  }
0x1b3: {  	[bflag:$0x0] =	sbarrier.arrive $0xFFFF  }
0x1b4: {  	_ =	strace $0x90000047  }
0x1b5: {  	s0 =	stileid.u32;
	[bflag:$0x2] =	sbarrier.arrive $0xFFFF  }
0x1b6: {  	p0 =	sne.s32 s0, $0x0;
	s0 =	rddreg [dreg:$0x5]  }
0x1b7: {  	s0 =	sadd.s32 @!p0 $0x100000, s0  }
0x1b8: {  	[sflag:s0] =	ssyncadd.tile.s32 @!p0 $0x1;
	_ =	shalt  }
.Lfunc_end2:
_tile_overlayer_lowered:
.L_overlay_start_2:
0x1b9: {  	(tag) =	ssettag $0x2  }
0x1ba: {  	s0 =	rddreg [dreg:$0x0];
	s2 =	stileid.u32  }
0x1bb: {  	s1 =	rddreg [dreg:$0x1];
	p0 =	sne.s32 s2, $0x0  }
0x1bc: {  	s3 =	rddreg [dreg:$0x2];
	[bflag:$0x3] =	sbarrier.arrive $0xFFFF;
	s2 =	simm.s32 @!p0 $0x1C0A  }
0x1bd: {  	[timem:s3], [sflag:s2] =	dma.local @!p0 [hbm:s0], s1  }
0x1be: {  	s0 =	simm.s32 @!p0 $0xA  }
0x1bf: {  	_ =	swait.ge @!p0 [sflag:s0], s1  }
0x1c0: {  	s1 =	ssub.s32 @!p0 $0x0, s1;
	[sflag:s0] =	ssyncset.done @!p0 $0x0  }
0x1c1: {  	[sflag:s0] =	ssyncadd.s32 @!p0 s1  }
0x1c2: {  	[bflag:$0x3] =	sbarrier.arrive $0xFFFF  }
0x1c3: {  	_ =	shalt  }

</sc_bundles>
